<compile_context>
chip_gen: v7x
topology: tpu7x:2x2x1
jax: 0.10.2.dev20260603
libtpu: 0.0.44.dev20260713+nightly
codegen_flags: <defaults>
</compile_context>

<pallas_src>
import functools

import jax
import jax.numpy as jnp
from jax import lax
from jax.experimental import pallas as pl
from jax.experimental.pallas import tpu as pltpu
from jax.experimental.pallas import tpu_sc as plsc

_T = 2048
_D = 768
_E = 8
_H = 3072
_CAP = 512
_TRASH = _E * _CAP
_XG_ROWS = _TRASH + 8
_NW = 32
_CHUNK = (2 * _T) // _NW
_NEG_INF = float("-inf")


def _router_body(xf_ref, nf_ref, w_ref, b_ref,
                 slot_s_ref, slot_g_ref, g1_ref, g2_ref, ns_ref):
    r = jnp.dot(xf_ref[...].astype(jnp.bfloat16),
                w_ref[...].astype(jnp.bfloat16),
                preferred_element_type=jnp.float32) + b_ref[...]
    logits = r[:, 0:_E]
    nlog = r[:, _E:2 * _E]
    z = r[:, 2 * _E:2 * _E + 1]
    sp = jnp.maximum(nlog, 0.0) + jnp.log1p(jnp.exp(-jnp.abs(nlog)))
    noisy = logits + nf_ref[...] * sp

    iota8 = lax.broadcasted_iota(jnp.int32, (_T, _E), 1)
    v1 = jnp.max(noisy, axis=1, keepdims=True)
    i1 = jnp.min(jnp.where(noisy == v1, iota8, _E), axis=1, keepdims=True)
    oh1 = iota8 == i1
    noisy2 = jnp.where(oh1, _NEG_INF, noisy)
    v2 = jnp.max(noisy2, axis=1, keepdims=True)
    i2 = jnp.min(jnp.where(noisy2 == v2, iota8, _E), axis=1, keepdims=True)
    oh2 = iota8 == i2

    ed = jnp.exp(v2 - v1)
    g1 = 1.0 / (1.0 + ed)
    g2 = ed / (1.0 + ed)

    ns = z <= 0.0
    nsf = ns.astype(jnp.float32)

    mask = jnp.where(jnp.logical_and(jnp.logical_or(oh1, oh2), ns), 1.0, 0.0)
    cum = mask
    sh = 1
    while sh < _T:
        cum = cum + jnp.concatenate(
            [jnp.zeros((sh, _E), jnp.float32), cum[:_T - sh]], axis=0)
        sh *= 2
    rank = cum - mask

    num_ns = jnp.sum(nsf, axis=0, keepdims=True)
    cap = jnp.floor(num_ns * 0.25)

    rank1 = jnp.sum(jnp.where(oh1, rank, 0.0), axis=1, keepdims=True)
    rank2 = jnp.sum(jnp.where(oh2, rank, 0.0), axis=1, keepdims=True)
    val1 = jnp.logical_and(ns, rank1 < cap)
    val2 = jnp.logical_and(ns, rank2 < cap)

    slot1 = i1 * _CAP + rank1.astype(jnp.int32)
    slot2 = i2 * _CAP + rank2.astype(jnp.int32)
    slot_s_ref[...] = jnp.concatenate(
        [jnp.where(val1, slot1, _TRASH), jnp.where(val2, slot2, _TRASH)], axis=1)
    slot_g_ref[...] = jnp.concatenate(
        [jnp.where(val1, slot1, 0), jnp.where(val2, slot2, 0)], axis=1)
    g1_ref[...] = g1 * val1.astype(jnp.float32)
    g2_ref[...] = g2 * val2.astype(jnp.float32)
    ns_ref[...] = nsf


def _router(xf, nf, wcat, bcat):
    return pl.pallas_call(
        _router_body,
        out_shape=[
            jax.ShapeDtypeStruct((_T, 2), jnp.int32),
            jax.ShapeDtypeStruct((_T, 2), jnp.int32),
            jax.ShapeDtypeStruct((_T, 1), jnp.float32),
            jax.ShapeDtypeStruct((_T, 1), jnp.float32),
            jax.ShapeDtypeStruct((_T, 1), jnp.float32),
        ],
    )(xf, nf, wcat, bcat)


_NSTR = 4
_SUB = _CHUNK // _NSTR


def _dispatch(xf, idx):
    @functools.partial(
        pl.kernel,
        out_type=jax.ShapeDtypeStruct((_XG_ROWS, _D), jnp.float32),
        mesh=plsc.VectorSubcoreMesh(core_axis_name="c", subcore_axis_name="s"),
        scratch_types=(
            [pltpu.VMEM((_SUB,), jnp.int32) for _ in range(_NSTR)]
            + [pltpu.VMEM((_CHUNK, _D), jnp.float32)]
            + [pltpu.SemaphoreType.DMA for _ in range(_NSTR + 1)]
        ),
    )
    def k(xf_hbm, idx_hbm, xg_hbm, i0, i1, i2, i3, rows_v, s0, s1, s2, s3, sr):
        wid = lax.axis_index("s") * 2 + lax.axis_index("c")
        base = wid * _CHUNK
        tok = lax.rem(base, _T)
        rcp = pltpu.make_async_copy(xf_hbm.at[pl.ds(tok, _CHUNK)], rows_v, sr)
        rcp.start()
        ivs = [i0, i1, i2, i3]
        sems = [s0, s1, s2, s3]
        for c in range(_NSTR):
            pltpu.sync_copy(idx_hbm.at[pl.ds(base + c * _SUB, _SUB)], ivs[c])
        rcp.wait()
        cps = []
        for c in range(_NSTR):
            cp = pltpu.make_async_copy(
                rows_v.at[pl.ds(c * _SUB, _SUB)], xg_hbm.at[ivs[c]], sems[c])
            cp.start()
            cps.append(cp)
        for cp in cps:
            cp.wait()

    return k(xf, idx)


def _mlp_body(xg_ref, w1_ref, b1_ref, w2_ref, b2_ref, y_ref, acc_ref):
    h_idx = pl.program_id(1)
    xraw = xg_ref[...]
    xb = jnp.where(jnp.abs(xraw) < 1e30, xraw, 0.0).astype(jnp.bfloat16)
    w1 = w1_ref[0].astype(jnp.bfloat16)
    h = jnp.dot(xb, w1, preferred_element_type=jnp.float32) + b1_ref[0]
    hb = jnp.maximum(h, 0.0).astype(jnp.bfloat16)
    w2 = w2_ref[0].astype(jnp.bfloat16)
    part = jnp.dot(hb, w2, preferred_element_type=jnp.float32)

    @pl.when(h_idx == 0)
    def _():
        acc_ref[...] = part + b2_ref[0]

    @pl.when(h_idx != 0)
    def _():
        y_ref[...] = (acc_ref[...] + part).astype(jnp.bfloat16)


_HB = 2
_HBLK = _H // _HB


def _mlp(xg, W1, b1, W2, b2):
    return pl.pallas_call(
        _mlp_body,
        grid=(_E, _HB),
        in_specs=[
            pl.BlockSpec((_CAP, _D), lambda e, h: (e, 0)),
            pl.BlockSpec((1, _D, _HBLK), lambda e, h: (e, 0, h)),
            pl.BlockSpec((1, 1, _HBLK), lambda e, h: (e, 0, h)),
            pl.BlockSpec((1, _HBLK, _D), lambda e, h: (e, h, 0)),
            pl.BlockSpec((1, 1, _D), lambda e, h: (e, 0, 0)),
        ],
        out_specs=pl.BlockSpec((_CAP, _D), lambda e, h: (e, 0)),
        out_shape=jax.ShapeDtypeStruct((_E * _CAP, _D), jnp.bfloat16),
        scratch_shapes=[pltpu.VMEM((_CAP, _D), jnp.float32)],
    )(xg, W1, b1.reshape(_E, 1, _H), W2, b2.reshape(_E, 1, _D))


_CB = 4


def _combine_body(sg_ref, g1_ref, g2_ref, ns_ref, xf_ref, y_ref, out_ref):
    s1 = sg_ref[...][:, 0:1]
    s2 = sg_ref[...][:, 1:2]
    iota = lax.broadcasted_iota(jnp.int32, (_T // _CB, _TRASH), 1)
    c = (jnp.where(iota == s1, g1_ref[...], 0.0)
         + jnp.where(iota == s2, g2_ref[...], 0.0)).astype(jnp.bfloat16)
    upd = jnp.dot(c, y_ref[...], preferred_element_type=jnp.float32)
    out_ref[...] = jnp.where(ns_ref[...] > 0.0, upd, xf_ref[...])


def _combine(slot_g, g1, g2, nsf, xf, y):
    blk = _T // _CB
    return pl.pallas_call(
        _combine_body,
        grid=(_CB,),
        in_specs=[
            pl.BlockSpec((blk, 2), lambda i: (i, 0)),
            pl.BlockSpec((blk, 1), lambda i: (i, 0)),
            pl.BlockSpec((blk, 1), lambda i: (i, 0)),
            pl.BlockSpec((blk, 1), lambda i: (i, 0)),
            pl.BlockSpec((blk, _D), lambda i: (i, 0)),
            pl.BlockSpec((_TRASH, _D), lambda i: (0, 0)),
        ],
        out_specs=pl.BlockSpec((blk, _D), lambda i: (i, 0)),
        out_shape=jax.ShapeDtypeStruct((_T, _D), jnp.float32),
    )(slot_g, g1, g2, nsf, xf, y)


def kernel(x, noise, Wr, br, Wn, bn, Ws, bs, W1, b1, W2, b2):
    B, S, D = x.shape
    xf = x.reshape(_T, _D)
    nf = noise.reshape(_T, _E)
    wcat = jnp.concatenate([Wr, Wn, Ws], axis=1)
    bcat = jnp.concatenate([br, bn, bs]).reshape(1, 2 * _E + 1)

    slot_s, slot_g, g1o, g2o, nsf = _router(xf, nf, wcat, bcat)
    sS = jnp.concatenate([slot_s[:, 0], slot_s[:, 1]])
    xg = _dispatch(xf, sS)
    y = _mlp(xg, W1, b1, W2, b2)
    final = _combine(slot_g, g1o, g2o, nsf, xf, y)
    return final.reshape(B, S, D)

# --- scband reference (transcript-rebuilt; emitter-appended) ---
"""Pipeline reference for scband-cross-layer-sparse-mo-e-64141041598886 (READ-ONLY COPY).

The authoritative reference and input builder live on the scoring server;
editing this copy changes nothing except your own understanding.
"""

import jax, jax.numpy as jnp
import numpy as np

TOP_K = 2
NUM_EXPERTS = 8
CAPACITY_FACTOR = 1.0
SKIP_PROB_THRESHOLD = 0.5


def setup_inputs(seed: int = 0):
    key = jax.random.key(seed)
    ks = jax.random.split(key, 12)
    B, S, D = 1, 2048, 768
    E = NUM_EXPERTS
    H = 4 * D
    x = jax.random.normal(ks[0], (B, S, D), jnp.float32)
    noise = jax.random.normal(ks[1], (B, S, E), jnp.float32)

    def u(k, shape, fan_in):
        b = 1.0 / np.sqrt(fan_in)
        return jax.random.uniform(k, shape, jnp.float32, -b, b)

    Wr = u(ks[2], (D, E), D); br = u(ks[3], (E,), D)
    Wn = u(ks[4], (D, E), D); bn = u(ks[5], (E,), D)
    Ws = u(ks[6], (D, 1), D); bs = u(ks[7], (1,), D)
    W1 = u(ks[8], (E, D, H), D); b1 = u(ks[9], (E, H), D)
    W2 = u(ks[10], (E, H, D), H); b2 = u(ks[11], (E, D), H)
    return {"x": x, "noise": noise, "Wr": Wr, "br": br, "Wn": Wn, "bn": bn,
            "Ws": Ws, "bs": bs, "W1": W1, "b1": b1, "W2": W2, "b2": b2}


def reference(x, noise, Wr, br, Wn, bn, Ws, bs, W1, b1, W2, b2):
    B, S, D = x.shape
    T = B * S
    E = NUM_EXPERTS
    xf = x.reshape(T, D)
    nf = noise.reshape(T, E)
    logits = xf @ Wr + br
    noise_logits = xf @ Wn + bn
    noisy = logits + nf * jax.nn.softplus(noise_logits)
    topv, topi = jax.lax.top_k(noisy, TOP_K)
    sparse = jnp.full_like(noisy, -jnp.inf).at[jnp.arange(T)[:, None], topi].set(topv)
    gating = jax.nn.softmax(sparse, axis=-1)
    skip_prob = jax.nn.sigmoid(xf @ Ws + bs)
    skip = skip_prob[:, 0] > SKIP_PROB_THRESHOLD
    nonskip = jnp.logical_not(skip)
    num_ns = jnp.sum(nonskip.astype(jnp.int32))
    capacity = (num_ns.astype(jnp.float32) * TOP_K / E * CAPACITY_FACTOR).astype(jnp.int32)
    cap_static = int(T * TOP_K / E * CAPACITY_FACTOR)
    updates = jnp.zeros((T, D), dtype=x.dtype)
    pos = jnp.arange(T)
    for i in range(E):
        mask_i = nonskip & jnp.any(topi == i, axis=-1)
        rank = jnp.cumsum(mask_i.astype(jnp.int32)) - 1
        within = mask_i & (rank < capacity)
        priority = jnp.where(within, pos, T)
        order = jnp.argsort(priority)[:cap_static]
        valid = within[order]
        safe_idx = jnp.where(valid, order, 0)
        xin = xf[safe_idx]
        h = jax.nn.relu(xin @ W1[i] + b1[i])
        out = h @ W2[i] + b2[i]
        g = gating[safe_idx, i][:, None]
        w = out * g * valid[:, None].astype(x.dtype)
        updates = updates.at[safe_idx].add(w)
    final = jnp.where(nonskip[:, None], updates, xf)
    return final.reshape(B, S, D)

if __name__ == "__main__":
    import jax
    _d = setup_inputs()
    print(jax.jit(kernel)(*tuple(_d.values())))

</pallas_src>

<mosaic_0001>
#map = affine_map<(d0, d1) -> (0, 0)>
#map1 = affine_map<(d0, d1) -> (0)>
module attributes {stable_mosaic.version = 14 : i64} {
  func.func @k(%arg0: i32, %arg1: i32, %arg2: memref<2048x768xf32, #tpu.memory_space<hbm>>, %arg3: memref<4096xi32, #tpu.memory_space<hbm>>, %arg4: memref<4104x768xf32, #tpu.memory_space<hbm>>, %arg5: memref<32xi32, #tpu.memory_space<vmem>>, %arg6: memref<32xi32, #tpu.memory_space<vmem>>, %arg7: memref<32xi32, #tpu.memory_space<vmem>>, %arg8: memref<32xi32, #tpu.memory_space<vmem>>, %arg9: memref<128x768xf32, #tpu.memory_space<vmem>>, %arg10: memref<!tpu.dma_semaphore, #tpu.memory_space<semaphore_mem>>, %arg11: memref<!tpu.dma_semaphore, #tpu.memory_space<semaphore_mem>>, %arg12: memref<!tpu.dma_semaphore, #tpu.memory_space<semaphore_mem>>, %arg13: memref<!tpu.dma_semaphore, #tpu.memory_space<semaphore_mem>>, %arg14: memref<!tpu.dma_semaphore, #tpu.memory_space<semaphore_mem>>) attributes {dimension_semantics = [#tpu.dimension_semantics<core_parallel>, #tpu.dimension_semantics<subcore_parallel>], iteration_bounds = array<i64: 2, 16>, scalar_prefetch = 0 : i64, scratch_operands = 10 : i64, tpu.core_type = #tpu.core_type<sc_vector_subcore>, window_params = [{transform_indices = #map}, {transform_indices = #map1}, {transform_indices = #map}]} {
    %mul3A = arith.constant 2 : i32
    %mul3A_0 = arith.muli %arg1, %mul3A : i32
    %add3A = arith.addi %mul3A_0, %arg0 : i32
    %mul3A_1 = arith.constant 128 : i32
    %mul3A_2 = arith.muli %add3A, %mul3A_1 : i32
    %rem3A = arith.constant 2048 : i32
    %rem3A_3 = arith.remsi %mul3A_2, %rem3A : i32
    %dma_start3A = arith.constant 0 : i32
    %dma_start3A_4 = tpu.memref_slice %arg2[%rem3A_3, %dma_start3A] : memref<2048x768xf32, #tpu.memory_space<hbm>> -> memref<128x768xf32, #tpu.memory_space<hbm>>
    %dma_start3A_5 = arith.constant 0 : i32
    %dma_start3A_6 = tpu.memref_slice %arg2[%rem3A_3, %dma_start3A_5] : memref<2048x768xf32, #tpu.memory_space<hbm>> -> memref<128x768xf32, #tpu.memory_space<hbm>>
    tpu.enqueue_dma source(%dma_start3A_6 : memref<128x768xf32, #tpu.memory_space<hbm>>) target(%arg9 : memref<128x768xf32, #tpu.memory_space<vmem>>) target_semaphore(%arg14 : memref<!tpu.dma_semaphore, #tpu.memory_space<semaphore_mem>>)
    %add3A_7 = arith.constant 0 : i32
    %add3A_8 = arith.addi %mul3A_2, %add3A_7 : i32
    "tpu.region"() ({
      %run_scoped3A = tpu.sem_alloc : memref<!tpu.dma_semaphore, #tpu.memory_space<semaphore_mem>>
      %dma_start3A_66 = tpu.memref_slice %arg3[%add3A_8] : memref<4096xi32, #tpu.memory_space<hbm>> -> memref<32xi32, #tpu.memory_space<hbm>>
      %dma_start3A_67 = tpu.memref_slice %arg3[%add3A_8] : memref<4096xi32, #tpu.memory_space<hbm>> -> memref<32xi32, #tpu.memory_space<hbm>>
      tpu.enqueue_dma source(%dma_start3A_67 : memref<32xi32, #tpu.memory_space<hbm>>) target(%arg5 : memref<32xi32, #tpu.memory_space<vmem>>) target_semaphore(%run_scoped3A : memref<!tpu.dma_semaphore, #tpu.memory_space<semaphore_mem>>)
      %dma_wait3A_68 = tpu.memref_slice %arg3[%add3A_8] : memref<4096xi32, #tpu.memory_space<hbm>> -> memref<32xi32, #tpu.memory_space<hbm>>
      %dma_wait3A_69 = tpu.memref_slice %arg3[%add3A_8] : memref<4096xi32, #tpu.memory_space<hbm>> -> memref<32xi32, #tpu.memory_space<hbm>>
      tpu.wait_dma2 semaphore(%run_scoped3A : memref<!tpu.dma_semaphore, #tpu.memory_space<semaphore_mem>>) src(%dma_wait3A_69 : memref<32xi32, #tpu.memory_space<hbm>>) dst(%arg5 : memref<32xi32, #tpu.memory_space<vmem>>)
      tpu.yield
    }) : () -> ()
    %add3A_9 = arith.constant 32 : i32
    %add3A_10 = arith.addi %mul3A_2, %add3A_9 : i32
    "tpu.region"() ({
      %run_scoped3A = tpu.sem_alloc : memref<!tpu.dma_semaphore, #tpu.memory_space<semaphore_mem>>
      %dma_start3A_66 = tpu.memref_slice %arg3[%add3A_10] : memref<4096xi32, #tpu.memory_space<hbm>> -> memref<32xi32, #tpu.memory_space<hbm>>
      %dma_start3A_67 = tpu.memref_slice %arg3[%add3A_10] : memref<4096xi32, #tpu.memory_space<hbm>> -> memref<32xi32, #tpu.memory_space<hbm>>
      tpu.enqueue_dma source(%dma_start3A_67 : memref<32xi32, #tpu.memory_space<hbm>>) target(%arg6 : memref<32xi32, #tpu.memory_space<vmem>>) target_semaphore(%run_scoped3A : memref<!tpu.dma_semaphore, #tpu.memory_space<semaphore_mem>>)
      %dma_wait3A_68 = tpu.memref_slice %arg3[%add3A_10] : memref<4096xi32, #tpu.memory_space<hbm>> -> memref<32xi32, #tpu.memory_space<hbm>>
      %dma_wait3A_69 = tpu.memref_slice %arg3[%add3A_10] : memref<4096xi32, #tpu.memory_space<hbm>> -> memref<32xi32, #tpu.memory_space<hbm>>
      tpu.wait_dma2 semaphore(%run_scoped3A : memref<!tpu.dma_semaphore, #tpu.memory_space<semaphore_mem>>) src(%dma_wait3A_69 : memref<32xi32, #tpu.memory_space<hbm>>) dst(%arg6 : memref<32xi32, #tpu.memory_space<vmem>>)
      tpu.yield
    }) : () -> ()
    %add3A_11 = arith.constant 64 : i32
    %add3A_12 = arith.addi %mul3A_2, %add3A_11 : i32
    "tpu.region"() ({
      %run_scoped3A = tpu.sem_alloc : memref<!tpu.dma_semaphore, #tpu.memory_space<semaphore_mem>>
      %dma_start3A_66 = tpu.memref_slice %arg3[%add3A_12] : memref<4096xi32, #tpu.memory_space<hbm>> -> memref<32xi32, #tpu.memory_space<hbm>>
      %dma_start3A_67 = tpu.memref_slice %arg3[%add3A_12] : memref<4096xi32, #tpu.memory_space<hbm>> -> memref<32xi32, #tpu.memory_space<hbm>>
      tpu.enqueue_dma source(%dma_start3A_67 : memref<32xi32, #tpu.memory_space<hbm>>) target(%arg7 : memref<32xi32, #tpu.memory_space<vmem>>) target_semaphore(%run_scoped3A : memref<!tpu.dma_semaphore, #tpu.memory_space<semaphore_mem>>)
      %dma_wait3A_68 = tpu.memref_slice %arg3[%add3A_12] : memref<4096xi32, #tpu.memory_space<hbm>> -> memref<32xi32, #tpu.memory_space<hbm>>
      %dma_wait3A_69 = tpu.memref_slice %arg3[%add3A_12] : memref<4096xi32, #tpu.memory_space<hbm>> -> memref<32xi32, #tpu.memory_space<hbm>>
      tpu.wait_dma2 semaphore(%run_scoped3A : memref<!tpu.dma_semaphore, #tpu.memory_space<semaphore_mem>>) src(%dma_wait3A_69 : memref<32xi32, #tpu.memory_space<hbm>>) dst(%arg7 : memref<32xi32, #tpu.memory_space<vmem>>)
      tpu.yield
    }) : () -> ()
    %add3A_13 = arith.constant 96 : i32
    %add3A_14 = arith.addi %mul3A_2, %add3A_13 : i32
    "tpu.region"() ({
      %run_scoped3A = tpu.sem_alloc : memref<!tpu.dma_semaphore, #tpu.memory_space<semaphore_mem>>
      %dma_start3A_66 = tpu.memref_slice %arg3[%add3A_14] : memref<4096xi32, #tpu.memory_space<hbm>> -> memref<32xi32, #tpu.memory_space<hbm>>
      %dma_start3A_67 = tpu.memref_slice %arg3[%add3A_14] : memref<4096xi32, #tpu.memory_space<hbm>> -> memref<32xi32, #tpu.memory_space<hbm>>
      tpu.enqueue_dma source(%dma_start3A_67 : memref<32xi32, #tpu.memory_space<hbm>>) target(%arg8 : memref<32xi32, #tpu.memory_space<vmem>>) target_semaphore(%run_scoped3A : memref<!tpu.dma_semaphore, #tpu.memory_space<semaphore_mem>>)
      %dma_wait3A_68 = tpu.memref_slice %arg3[%add3A_14] : memref<4096xi32, #tpu.memory_space<hbm>> -> memref<32xi32, #tpu.memory_space<hbm>>
      %dma_wait3A_69 = tpu.memref_slice %arg3[%add3A_14] : memref<4096xi32, #tpu.memory_space<hbm>> -> memref<32xi32, #tpu.memory_space<hbm>>
      tpu.wait_dma2 semaphore(%run_scoped3A : memref<!tpu.dma_semaphore, #tpu.memory_space<semaphore_mem>>) src(%dma_wait3A_69 : memref<32xi32, #tpu.memory_space<hbm>>) dst(%arg8 : memref<32xi32, #tpu.memory_space<vmem>>)
      tpu.yield
    }) : () -> ()
    %dma_wait3A = arith.constant 0 : i32
    %dma_wait3A_15 = tpu.memref_slice %arg2[%rem3A_3, %dma_wait3A] : memref<2048x768xf32, #tpu.memory_space<hbm>> -> memref<128x768xf32, #tpu.memory_space<hbm>>
    %dma_wait3A_16 = arith.constant 0 : i32
    %dma_wait3A_17 = tpu.memref_slice %arg2[%rem3A_3, %dma_wait3A_16] : memref<2048x768xf32, #tpu.memory_space<hbm>> -> memref<128x768xf32, #tpu.memory_space<hbm>>
    tpu.wait_dma2 semaphore(%arg14 : memref<!tpu.dma_semaphore, #tpu.memory_space<semaphore_mem>>) src(%dma_wait3A_17 : memref<128x768xf32, #tpu.memory_space<hbm>>) dst(%arg9 : memref<128x768xf32, #tpu.memory_space<vmem>>)
    %dma_start3A_18 = arith.constant 0 : i32
    %dma_start3A_19 = arith.constant 0 : i32
    %dma_start3A_20 = tpu.memref_slice %arg9[%dma_start3A_18, %dma_start3A_19] : memref<128x768xf32, #tpu.memory_space<vmem>> -> memref<32x768xf32, #tpu.memory_space<vmem>>
    %dma_start3A_21 = arith.constant 0 : i32
    %dma_start3A_22 = arith.constant 0 : i32
    %dma_start3A_23 = tpu.memref_slice %arg4[%dma_start3A_21, %dma_start3A_22] : memref<4104x768xf32, #tpu.memory_space<hbm>> -> memref<4104x768xf32, #tpu.memory_space<hbm>>
    tpu.enqueue_indirect_dma source(%dma_start3A_20 : memref<32x768xf32, #tpu.memory_space<vmem>>) target(%dma_start3A_23 : memref<4104x768xf32, #tpu.memory_space<hbm>>) offsets(%arg5 : memref<32xi32, #tpu.memory_space<vmem>>) semaphore(%arg10 : memref<!tpu.dma_semaphore, #tpu.memory_space<semaphore_mem>>)
    %dma_start3A_24 = arith.constant 32 : i32
    %dma_start3A_25 = arith.constant 0 : i32
    %dma_start3A_26 = tpu.memref_slice %arg9[%dma_start3A_24, %dma_start3A_25] : memref<128x768xf32, #tpu.memory_space<vmem>> -> memref<32x768xf32, #tpu.memory_space<vmem>>
    %dma_start3A_27 = arith.constant 0 : i32
    %dma_start3A_28 = arith.constant 0 : i32
    %dma_start3A_29 = tpu.memref_slice %arg4[%dma_start3A_27, %dma_start3A_28] : memref<4104x768xf32, #tpu.memory_space<hbm>> -> memref<4104x768xf32, #tpu.memory_space<hbm>>
    tpu.enqueue_indirect_dma source(%dma_start3A_26 : memref<32x768xf32, #tpu.memory_space<vmem>>) target(%dma_start3A_29 : memref<4104x768xf32, #tpu.memory_space<hbm>>) offsets(%arg6 : memref<32xi32, #tpu.memory_space<vmem>>) semaphore(%arg11 : memref<!tpu.dma_semaphore, #tpu.memory_space<semaphore_mem>>)
    %dma_start3A_30 = arith.constant 64 : i32
    %dma_start3A_31 = arith.constant 0 : i32
    %dma_start3A_32 = tpu.memref_slice %arg9[%dma_start3A_30, %dma_start3A_31] : memref<128x768xf32, #tpu.memory_space<vmem>> -> memref<32x768xf32, #tpu.memory_space<vmem>>
    %dma_start3A_33 = arith.constant 0 : i32
    %dma_start3A_34 = arith.constant 0 : i32
    %dma_start3A_35 = tpu.memref_slice %arg4[%dma_start3A_33, %dma_start3A_34] : memref<4104x768xf32, #tpu.memory_space<hbm>> -> memref<4104x768xf32, #tpu.memory_space<hbm>>
    tpu.enqueue_indirect_dma source(%dma_start3A_32 : memref<32x768xf32, #tpu.memory_space<vmem>>) target(%dma_start3A_35 : memref<4104x768xf32, #tpu.memory_space<hbm>>) offsets(%arg7 : memref<32xi32, #tpu.memory_space<vmem>>) semaphore(%arg12 : memref<!tpu.dma_semaphore, #tpu.memory_space<semaphore_mem>>)
    %dma_start3A_36 = arith.constant 96 : i32
    %dma_start3A_37 = arith.constant 0 : i32
    %dma_start3A_38 = tpu.memref_slice %arg9[%dma_start3A_36, %dma_start3A_37] : memref<128x768xf32, #tpu.memory_space<vmem>> -> memref<32x768xf32, #tpu.memory_space<vmem>>
    %dma_start3A_39 = arith.constant 0 : i32
    %dma_start3A_40 = arith.constant 0 : i32
    %dma_start3A_41 = tpu.memref_slice %arg4[%dma_start3A_39, %dma_start3A_40] : memref<4104x768xf32, #tpu.memory_space<hbm>> -> memref<4104x768xf32, #tpu.memory_space<hbm>>
    tpu.enqueue_indirect_dma source(%dma_start3A_38 : memref<32x768xf32, #tpu.memory_space<vmem>>) target(%dma_start3A_41 : memref<4104x768xf32, #tpu.memory_space<hbm>>) offsets(%arg8 : memref<32xi32, #tpu.memory_space<vmem>>) semaphore(%arg13 : memref<!tpu.dma_semaphore, #tpu.memory_space<semaphore_mem>>)
    %dma_wait3A_42 = arith.constant 0 : i32
    %dma_wait3A_43 = arith.constant 0 : i32
    %dma_wait3A_44 = tpu.memref_slice %arg9[%dma_wait3A_42, %dma_wait3A_43] : memref<128x768xf32, #tpu.memory_space<vmem>> -> memref<32x768xf32, #tpu.memory_space<vmem>>
    %dma_wait3A_45 = arith.constant 0 : i32
    %dma_wait3A_46 = arith.constant 0 : i32
    %dma_wait3A_47 = tpu.memref_slice %arg4[%dma_wait3A_45, %dma_wait3A_46] : memref<4104x768xf32, #tpu.memory_space<hbm>> -> memref<4104x768xf32, #tpu.memory_space<hbm>>
    tpu.wait_indirect_dma semaphore(%arg10 : memref<!tpu.dma_semaphore, #tpu.memory_space<semaphore_mem>>) src(%dma_wait3A_44 : memref<32x768xf32, #tpu.memory_space<vmem>>) dst(%dma_wait3A_47 : memref<4104x768xf32, #tpu.memory_space<hbm>>)
    %dma_wait3A_48 = arith.constant 32 : i32
    %dma_wait3A_49 = arith.constant 0 : i32
    %dma_wait3A_50 = tpu.memref_slice %arg9[%dma_wait3A_48, %dma_wait3A_49] : memref<128x768xf32, #tpu.memory_space<vmem>> -> memref<32x768xf32, #tpu.memory_space<vmem>>
    %dma_wait3A_51 = arith.constant 0 : i32
    %dma_wait3A_52 = arith.constant 0 : i32
    %dma_wait3A_53 = tpu.memref_slice %arg4[%dma_wait3A_51, %dma_wait3A_52] : memref<4104x768xf32, #tpu.memory_space<hbm>> -> memref<4104x768xf32, #tpu.memory_space<hbm>>
    tpu.wait_indirect_dma semaphore(%arg11 : memref<!tpu.dma_semaphore, #tpu.memory_space<semaphore_mem>>) src(%dma_wait3A_50 : memref<32x768xf32, #tpu.memory_space<vmem>>) dst(%dma_wait3A_53 : memref<4104x768xf32, #tpu.memory_space<hbm>>)
    %dma_wait3A_54 = arith.constant 64 : i32
    %dma_wait3A_55 = arith.constant 0 : i32
    %dma_wait3A_56 = tpu.memref_slice %arg9[%dma_wait3A_54, %dma_wait3A_55] : memref<128x768xf32, #tpu.memory_space<vmem>> -> memref<32x768xf32, #tpu.memory_space<vmem>>
    %dma_wait3A_57 = arith.constant 0 : i32
    %dma_wait3A_58 = arith.constant 0 : i32
    %dma_wait3A_59 = tpu.memref_slice %arg4[%dma_wait3A_57, %dma_wait3A_58] : memref<4104x768xf32, #tpu.memory_space<hbm>> -> memref<4104x768xf32, #tpu.memory_space<hbm>>
    tpu.wait_indirect_dma semaphore(%arg12 : memref<!tpu.dma_semaphore, #tpu.memory_space<semaphore_mem>>) src(%dma_wait3A_56 : memref<32x768xf32, #tpu.memory_space<vmem>>) dst(%dma_wait3A_59 : memref<4104x768xf32, #tpu.memory_space<hbm>>)
    %dma_wait3A_60 = arith.constant 96 : i32
    %dma_wait3A_61 = arith.constant 0 : i32
    %dma_wait3A_62 = tpu.memref_slice %arg9[%dma_wait3A_60, %dma_wait3A_61] : memref<128x768xf32, #tpu.memory_space<vmem>> -> memref<32x768xf32, #tpu.memory_space<vmem>>
    %dma_wait3A_63 = arith.constant 0 : i32
    %dma_wait3A_64 = arith.constant 0 : i32
    %dma_wait3A_65 = tpu.memref_slice %arg4[%dma_wait3A_63, %dma_wait3A_64] : memref<4104x768xf32, #tpu.memory_space<hbm>> -> memref<4104x768xf32, #tpu.memory_space<hbm>>
    tpu.wait_indirect_dma semaphore(%arg13 : memref<!tpu.dma_semaphore, #tpu.memory_space<semaphore_mem>>) src(%dma_wait3A_62 : memref<32x768xf32, #tpu.memory_space<vmem>>) dst(%dma_wait3A_65 : memref<4104x768xf32, #tpu.memory_space<hbm>>)
    return
  }
}

module attributes {stable_mosaic.version = 14 : i64} {
  func.func @_router_body(%arg0: memref<2048x768xf32, #tpu.memory_space<vmem>>, %arg1: memref<2048x8xf32, #tpu.memory_space<vmem>>, %arg2: memref<768x17xf32, #tpu.memory_space<vmem>>, %arg3: memref<1x17xf32, #tpu.memory_space<vmem>>, %arg4: memref<2048x2xi32, #tpu.memory_space<vmem>>, %arg5: memref<2048x2xi32, #tpu.memory_space<vmem>>, %arg6: memref<2048x1xf32, #tpu.memory_space<vmem>>, %arg7: memref<2048x1xf32, #tpu.memory_space<vmem>>, %arg8: memref<2048x1xf32, #tpu.memory_space<vmem>>) attributes {dimension_semantics = [], scalar_prefetch = 0 : i64, scratch_operands = 0 : i64, tpu.core_type = #tpu.core_type<tc>} {
    %get3A = arith.constant 0 : index
    %get3A_0 = arith.constant 0 : index
    %get3A_1 = vector.load %arg0[%get3A, %get3A_0] : memref<2048x768xf32, #tpu.memory_space<vmem>>, vector<2048x768xf32>
    %convert_element_type3A = arith.truncf %get3A_1 : vector<2048x768xf32> to vector<2048x768xbf16>
    %get3A_2 = arith.constant 0 : index
    %get3A_3 = arith.constant 0 : index
    %get3A_4 = vector.load %arg2[%get3A_2, %get3A_3] : memref<768x17xf32, #tpu.memory_space<vmem>>, vector<768x17xf32>
    %convert_element_type3A_5 = arith.truncf %get3A_4 : vector<768x17xf32> to vector<768x17xbf16>
    %dot_general3A = arith.constant dense<0.000000e+00> : vector<2048x17xf32>
    %dot_general3A_6 = tpu.matmul %convert_element_type3A, %convert_element_type3A_5, %dot_general3A {dimension_numbers = #tpu.dot_dimension_numbers<[1], [0], [0], [1], [0, 0, 1, 1], [], []>, transpose_lhs_hint = false} : vector<2048x768xbf16>, vector<768x17xbf16>, vector<2048x17xf32> -> vector<2048x17xf32>
    %get3A_7 = arith.constant 0 : index
    %get3A_8 = arith.constant 0 : index
    %get3A_9 = vector.load %arg3[%get3A_7, %get3A_8] : memref<1x17xf32, #tpu.memory_space<vmem>>, vector<1x17xf32>
    %add3A = vector.broadcast %get3A_9 : vector<1x17xf32> to vector<2048x17xf32>
    %add3A_10 = arith.addf %dot_general3A_6, %add3A : vector<2048x17xf32>
    %slice3A = vector.extract_strided_slice %add3A_10 {offsets = [0, 0], sizes = [2048, 8], strides = [1, 1]} : vector<2048x17xf32> to vector<2048x8xf32>
    %slice3A_11 = vector.extract_strided_slice %add3A_10 {offsets = [0, 8], sizes = [2048, 8], strides = [1, 1]} : vector<2048x17xf32> to vector<2048x8xf32>
    %slice3A_12 = vector.extract_strided_slice %add3A_10 {offsets = [0, 16], sizes = [2048, 1], strides = [1, 1]} : vector<2048x17xf32> to vector<2048x1xf32>
    %max3A = arith.constant 0.000000e+00 : f32
    %max3A_13 = vector.broadcast %max3A : f32 to vector<2048x8xf32>
    %max3A_14 = arith.maximumf %slice3A_11, %max3A_13 : vector<2048x8xf32>
    %abs3A = math.absf %slice3A_11 : vector<2048x8xf32>
    %neg3A = arith.constant 0.000000e+00 : f32
    %neg3A_15 = vector.broadcast %neg3A : f32 to vector<2048x8xf32>
    %neg3A_16 = arith.subf %neg3A_15, %abs3A : vector<2048x8xf32>
    %exp3A = math.exp %neg3A_16 : vector<2048x8xf32>
    %log1p3A = math.log1p %exp3A : vector<2048x8xf32>
    %add3A_17 = arith.addf %max3A_14, %log1p3A : vector<2048x8xf32>
    %get3A_18 = arith.constant 0 : index
    %get3A_19 = arith.constant 0 : index
    %get3A_20 = vector.load %arg1[%get3A_18, %get3A_19] : memref<2048x8xf32, #tpu.memory_space<vmem>>, vector<2048x8xf32>
    %mul3A = arith.mulf %get3A_20, %add3A_17 : vector<2048x8xf32>
    %add3A_21 = arith.addf %slice3A, %mul3A : vector<2048x8xf32>
    %iota3A = tpu.iota {dimensions = array<i32: 1>} : vector<2048x8xi32>
    %reduce_max3A = arith.constant dense<0xFF800000> : vector<2048xf32>
    %reduce_max3A_22 = vector.multi_reduction <maximumf>, %add3A_21, %reduce_max3A [1] : vector<2048x8xf32> to vector<2048xf32>
    %broadcast_in_dim3A = vector.shape_cast %reduce_max3A_22 : vector<2048xf32> to vector<2048x1xf32>
    %eq3A = vector.broadcast %broadcast_in_dim3A : vector<2048x1xf32> to vector<2048x8xf32>
    %eq3A_23 = arith.cmpf oeq, %add3A_21, %eq3A : vector<2048x8xf32>
    %jit3A = arith.constant 8 : i32
    %broadcast_in_dim3A_24 = vector.broadcast %jit3A : i32 to vector<2048x8xi32>
    %select_n3A = arith.select %eq3A_23, %iota3A, %broadcast_in_dim3A_24 : vector<2048x8xi1>, vector<2048x8xi32>
    %reduce_min3A = arith.constant dense<2147483647> : vector<2048xi32>
    %reduce_min3A_25 = vector.multi_reduction <minsi>, %select_n3A, %reduce_min3A [1] : vector<2048x8xi32> to vector<2048xi32>
    %broadcast_in_dim3A_26 = vector.shape_cast %reduce_min3A_25 : vector<2048xi32> to vector<2048x1xi32>
    %eq3A_27 = vector.broadcast %broadcast_in_dim3A_26 : vector<2048x1xi32> to vector<2048x8xi32>
    %eq3A_28 = arith.cmpi eq, %iota3A, %eq3A_27 : vector<2048x8xi32>
    %jit3A_29 = arith.constant 0xFF800000 : f32
    %broadcast_in_dim3A_30 = vector.broadcast %jit3A_29 : f32 to vector<2048x8xf32>
    %select_n3A_31 = arith.select %eq3A_28, %broadcast_in_dim3A_30, %add3A_21 : vector<2048x8xi1>, vector<2048x8xf32>
    %reduce_max3A_32 = arith.constant dense<0xFF800000> : vector<2048xf32>
    %reduce_max3A_33 = vector.multi_reduction <maximumf>, %select_n3A_31, %reduce_max3A_32 [1] : vector<2048x8xf32> to vector<2048xf32>
    %broadcast_in_dim3A_34 = vector.shape_cast %reduce_max3A_33 : vector<2048xf32> to vector<2048x1xf32>
    %eq3A_35 = vector.broadcast %broadcast_in_dim3A_34 : vector<2048x1xf32> to vector<2048x8xf32>
    %eq3A_36 = arith.cmpf oeq, %select_n3A_31, %eq3A_35 : vector<2048x8xf32>
    %jit3A_37 = arith.constant 8 : i32
    %broadcast_in_dim3A_38 = vector.broadcast %jit3A_37 : i32 to vector<2048x8xi32>
    %select_n3A_39 = arith.select %eq3A_36, %iota3A, %broadcast_in_dim3A_38 : vector<2048x8xi1>, vector<2048x8xi32>
    %reduce_min3A_40 = arith.constant dense<2147483647> : vector<2048xi32>
    %reduce_min3A_41 = vector.multi_reduction <minsi>, %select_n3A_39, %reduce_min3A_40 [1] : vector<2048x8xi32> to vector<2048xi32>
    %broadcast_in_dim3A_42 = vector.shape_cast %reduce_min3A_41 : vector<2048xi32> to vector<2048x1xi32>
    %eq3A_43 = vector.broadcast %broadcast_in_dim3A_42 : vector<2048x1xi32> to vector<2048x8xi32>
    %eq3A_44 = arith.cmpi eq, %iota3A, %eq3A_43 : vector<2048x8xi32>
    %sub3A = arith.subf %broadcast_in_dim3A_34, %broadcast_in_dim3A : vector<2048x1xf32>
    %exp3A_45 = math.exp %sub3A : vector<2048x1xf32>
    %add3A_46 = arith.constant 1.000000e+00 : f32
    %add3A_47 = vector.broadcast %add3A_46 : f32 to vector<2048x1xf32>
    %add3A_48 = arith.addf %add3A_47, %exp3A_45 : vector<2048x1xf32>
    %div3A = arith.constant 1.000000e+00 : f32
    %div3A_49 = vector.broadcast %div3A : f32 to vector<2048x1xf32>
    %div3A_50 = arith.divf %div3A_49, %add3A_48 : vector<2048x1xf32>
    %add3A_51 = arith.constant 1.000000e+00 : f32
    %add3A_52 = vector.broadcast %add3A_51 : f32 to vector<2048x1xf32>
    %add3A_53 = arith.addf %add3A_52, %exp3A_45 : vector<2048x1xf32>
    %div3A_54 = arith.divf %exp3A_45, %add3A_53 : vector<2048x1xf32>
    %le3A = arith.constant 0.000000e+00 : f32
    %le3A_55 = vector.broadcast %le3A : f32 to vector<2048x1xf32>
    %le3A_56 = arith.cmpf ole, %slice3A_12, %le3A_55 : vector<2048x1xf32>
    %convert_element_type3A_57 = arith.extui %le3A_56 : vector<2048x1xi1> to vector<2048x1xi32>
    %convert_element_type3A_58 = arith.sitofp %convert_element_type3A_57 : vector<2048x1xi32> to vector<2048x1xf32>
    %or3A = arith.ori %eq3A_28, %eq3A_44 : vector<2048x8xi1>
    %and3A = vector.broadcast %le3A_56 : vector<2048x1xi1> to vector<2048x8xi1>
    %and3A_59 = arith.andi %or3A, %and3A : vector<2048x8xi1>
    %jit3A_60 = arith.constant 1.000000e+00 : f32
    %jit3A_61 = arith.constant 0.000000e+00 : f32
    %broadcast_in_dim3A_62 = vector.broadcast %jit3A_60 : f32 to vector<2048x8xf32>
    %broadcast_in_dim3A_63 = vector.broadcast %jit3A_61 : f32 to vector<2048x8xf32>
    %select_n3A_64 = arith.select %and3A_59, %broadcast_in_dim3A_62, %broadcast_in_dim3A_63 : vector<2048x8xi1>, vector<2048x8xf32>
    %broadcast_in_dim3A_65 = arith.constant 0.000000e+00 : f32
    %broadcast_in_dim3A_66 = vector.broadcast %broadcast_in_dim3A_65 : f32 to vector<1x8xf32>
    %slice3A_67 = vector.extract_strided_slice %select_n3A_64 {offsets = [0, 0], sizes = [2047, 8], strides = [1, 1]} : vector<2048x8xf32> to vector<2047x8xf32>
    %concatenate3A = tpu.concatenate %broadcast_in_dim3A_66, %slice3A_67 in 0 : vector<1x8xf32>, vector<2047x8xf32> -> vector<2048x8xf32>
    %add3A_68 = arith.addf %select_n3A_64, %concatenate3A : vector<2048x8xf32>
    %broadcast_in_dim3A_69 = arith.constant 0.000000e+00 : f32
    %broadcast_in_dim3A_70 = vector.broadcast %broadcast_in_dim3A_69 : f32 to vector<2x8xf32>
    %slice3A_71 = vector.extract_strided_slice %add3A_68 {offsets = [0, 0], sizes = [2046, 8], strides = [1, 1]} : vector<2048x8xf32> to vector<2046x8xf32>
    %concatenate3A_72 = tpu.concatenate %broadcast_in_dim3A_70, %slice3A_71 in 0 : vector<2x8xf32>, vector<2046x8xf32> -> vector<2048x8xf32>
    %add3A_73 = arith.addf %add3A_68, %concatenate3A_72 : vector<2048x8xf32>
    %broadcast_in_dim3A_74 = arith.constant 0.000000e+00 : f32
    %broadcast_in_dim3A_75 = vector.broadcast %broadcast_in_dim3A_74 : f32 to vector<4x8xf32>
    %slice3A_76 = vector.extract_strided_slice %add3A_73 {offsets = [0, 0], sizes = [2044, 8], strides = [1, 1]} : vector<2048x8xf32> to vector<2044x8xf32>
    %concatenate3A_77 = tpu.concatenate %broadcast_in_dim3A_75, %slice3A_76 in 0 : vector<4x8xf32>, vector<2044x8xf32> -> vector<2048x8xf32>
    %add3A_78 = arith.addf %add3A_73, %concatenate3A_77 : vector<2048x8xf32>
    %broadcast_in_dim3A_79 = arith.constant 0.000000e+00 : f32
    %broadcast_in_dim3A_80 = vector.broadcast %broadcast_in_dim3A_79 : f32 to vector<8x8xf32>
    %slice3A_81 = vector.extract_strided_slice %add3A_78 {offsets = [0, 0], sizes = [2040, 8], strides = [1, 1]} : vector<2048x8xf32> to vector<2040x8xf32>
    %concatenate3A_82 = tpu.concatenate %broadcast_in_dim3A_80, %slice3A_81 in 0 : vector<8x8xf32>, vector<2040x8xf32> -> vector<2048x8xf32>
    %add3A_83 = arith.addf %add3A_78, %concatenate3A_82 : vector<2048x8xf32>
    %broadcast_in_dim3A_84 = arith.constant 0.000000e+00 : f32
    %broadcast_in_dim3A_85 = vector.broadcast %broadcast_in_dim3A_84 : f32 to vector<16x8xf32>
    %slice3A_86 = vector.extract_strided_slice %add3A_83 {offsets = [0, 0], sizes = [2032, 8], strides = [1, 1]} : vector<2048x8xf32> to vector<2032x8xf32>
    %concatenate3A_87 = tpu.concatenate %broadcast_in_dim3A_85, %slice3A_86 in 0 : vector<16x8xf32>, vector<2032x8xf32> -> vector<2048x8xf32>
    %add3A_88 = arith.addf %add3A_83, %concatenate3A_87 : vector<2048x8xf32>
    %broadcast_in_dim3A_89 = arith.constant 0.000000e+00 : f32
    %broadcast_in_dim3A_90 = vector.broadcast %broadcast_in_dim3A_89 : f32 to vector<32x8xf32>
    %slice3A_91 = vector.extract_strided_slice %add3A_88 {offsets = [0, 0], sizes = [2016, 8], strides = [1, 1]} : vector<2048x8xf32> to vector<2016x8xf32>
    %concatenate3A_92 = tpu.concatenate %broadcast_in_dim3A_90, %slice3A_91 in 0 : vector<32x8xf32>, vector<2016x8xf32> -> vector<2048x8xf32>
    %add3A_93 = arith.addf %add3A_88, %concatenate3A_92 : vector<2048x8xf32>
    %broadcast_in_dim3A_94 = arith.constant 0.000000e+00 : f32
    %broadcast_in_dim3A_95 = vector.broadcast %broadcast_in_dim3A_94 : f32 to vector<64x8xf32>
    %slice3A_96 = vector.extract_strided_slice %add3A_93 {offsets = [0, 0], sizes = [1984, 8], strides = [1, 1]} : vector<2048x8xf32> to vector<1984x8xf32>
    %concatenate3A_97 = tpu.concatenate %broadcast_in_dim3A_95, %slice3A_96 in 0 : vector<64x8xf32>, vector<1984x8xf32> -> vector<2048x8xf32>
    %add3A_98 = arith.addf %add3A_93, %concatenate3A_97 : vector<2048x8xf32>
    %broadcast_in_dim3A_99 = arith.constant 0.000000e+00 : f32
    %broadcast_in_dim3A_100 = vector.broadcast %broadcast_in_dim3A_99 : f32 to vector<128x8xf32>
    %slice3A_101 = vector.extract_strided_slice %add3A_98 {offsets = [0, 0], sizes = [1920, 8], strides = [1, 1]} : vector<2048x8xf32> to vector<1920x8xf32>
    %concatenate3A_102 = tpu.concatenate %broadcast_in_dim3A_100, %slice3A_101 in 0 : vector<128x8xf32>, vector<1920x8xf32> -> vector<2048x8xf32>
    %add3A_103 = arith.addf %add3A_98, %concatenate3A_102 : vector<2048x8xf32>
    %broadcast_in_dim3A_104 = arith.constant 0.000000e+00 : f32
    %broadcast_in_dim3A_105 = vector.broadcast %broadcast_in_dim3A_104 : f32 to vector<256x8xf32>
    %slice3A_106 = vector.extract_strided_slice %add3A_103 {offsets = [0, 0], sizes = [1792, 8], strides = [1, 1]} : vector<2048x8xf32> to vector<1792x8xf32>
    %concatenate3A_107 = tpu.concatenate %broadcast_in_dim3A_105, %slice3A_106 in 0 : vector<256x8xf32>, vector<1792x8xf32> -> vector<2048x8xf32>
    %add3A_108 = arith.addf %add3A_103, %concatenate3A_107 : vector<2048x8xf32>
    %broadcast_in_dim3A_109 = arith.constant 0.000000e+00 : f32
    %broadcast_in_dim3A_110 = vector.broadcast %broadcast_in_dim3A_109 : f32 to vector<512x8xf32>
    %slice3A_111 = vector.extract_strided_slice %add3A_108 {offsets = [0, 0], sizes = [1536, 8], strides = [1, 1]} : vector<2048x8xf32> to vector<1536x8xf32>
    %concatenate3A_112 = tpu.concatenate %broadcast_in_dim3A_110, %slice3A_111 in 0 : vector<512x8xf32>, vector<1536x8xf32> -> vector<2048x8xf32>
    %add3A_113 = arith.addf %add3A_108, %concatenate3A_112 : vector<2048x8xf32>
    %broadcast_in_dim3A_114 = arith.constant 0.000000e+00 : f32
    %broadcast_in_dim3A_115 = vector.broadcast %broadcast_in_dim3A_114 : f32 to vector<1024x8xf32>
    %slice3A_116 = vector.extract_strided_slice %add3A_113 {offsets = [0, 0], sizes = [1024, 8], strides = [1, 1]} : vector<2048x8xf32> to vector<1024x8xf32>
    %concatenate3A_117 = tpu.concatenate %broadcast_in_dim3A_115, %slice3A_116 in 0 : vector<1024x8xf32>, vector<1024x8xf32> -> vector<2048x8xf32>
    %add3A_118 = arith.addf %add3A_113, %concatenate3A_117 : vector<2048x8xf32>
    %sub3A_119 = arith.subf %add3A_118, %select_n3A_64 : vector<2048x8xf32>
    %reduce_sum3A = arith.constant dense<0.000000e+00> : vector<1xf32>
    %reduce_sum3A_120 = vector.multi_reduction <add>, %convert_element_type3A_58, %reduce_sum3A [0] : vector<2048x1xf32> to vector<1xf32>
    %broadcast_in_dim3A_121 = vector.shape_cast %reduce_sum3A_120 : vector<1xf32> to vector<1x1xf32>
    %mul3A_122 = arith.constant 2.500000e-01 : f32
    %mul3A_123 = vector.broadcast %mul3A_122 : f32 to vector<1x1xf32>
    %mul3A_124 = arith.mulf %broadcast_in_dim3A_121, %mul3A_123 : vector<1x1xf32>
    %floor3A = math.floor %mul3A_124 : vector<1x1xf32>
    %jit3A_125 = arith.constant 0.000000e+00 : f32
    %broadcast_in_dim3A_126 = vector.broadcast %jit3A_125 : f32 to vector<2048x8xf32>
    %select_n3A_127 = arith.select %eq3A_28, %sub3A_119, %broadcast_in_dim3A_126 : vector<2048x8xi1>, vector<2048x8xf32>
    %reduce_sum3A_128 = arith.constant dense<0.000000e+00> : vector<2048xf32>
    %reduce_sum3A_129 = vector.multi_reduction <add>, %select_n3A_127, %reduce_sum3A_128 [1] : vector<2048x8xf32> to vector<2048xf32>
    %broadcast_in_dim3A_130 = vector.shape_cast %reduce_sum3A_129 : vector<2048xf32> to vector<2048x1xf32>
    %jit3A_131 = arith.constant 0.000000e+00 : f32
    %broadcast_in_dim3A_132 = vector.broadcast %jit3A_131 : f32 to vector<2048x8xf32>
    %select_n3A_133 = arith.select %eq3A_44, %sub3A_119, %broadcast_in_dim3A_132 : vector<2048x8xi1>, vector<2048x8xf32>
    %reduce_sum3A_134 = arith.constant dense<0.000000e+00> : vector<2048xf32>
    %reduce_sum3A_135 = vector.multi_reduction <add>, %select_n3A_133, %reduce_sum3A_134 [1] : vector<2048x8xf32> to vector<2048xf32>
    %broadcast_in_dim3A_136 = vector.shape_cast %reduce_sum3A_135 : vector<2048xf32> to vector<2048x1xf32>
    %lt3A = vector.broadcast %floor3A : vector<1x1xf32> to vector<2048x1xf32>
    %lt3A_137 = arith.cmpf olt, %broadcast_in_dim3A_130, %lt3A : vector<2048x1xf32>
    %and3A_138 = arith.andi %le3A_56, %lt3A_137 : vector<2048x1xi1>
    %lt3A_139 = vector.broadcast %floor3A : vector<1x1xf32> to vector<2048x1xf32>
    %lt3A_140 = arith.cmpf olt, %broadcast_in_dim3A_136, %lt3A_139 : vector<2048x1xf32>
    %and3A_141 = arith.andi %le3A_56, %lt3A_140 : vector<2048x1xi1>
    %mul3A_142 = arith.constant 512 : i32
    %mul3A_143 = vector.broadcast %mul3A_142 : i32 to vector<2048x1xi32>
    %mul3A_144 = arith.muli %broadcast_in_dim3A_26, %mul3A_143 : vector<2048x1xi32>
    %convert_element_type3A_145 = arith.fptosi %broadcast_in_dim3A_130 : vector<2048x1xf32> to vector<2048x1xi32>
    %add3A_146 = arith.addi %mul3A_144, %convert_element_type3A_145 : vector<2048x1xi32>
    %mul3A_147 = arith.constant 512 : i32
    %mul3A_148 = vector.broadcast %mul3A_147 : i32 to vector<2048x1xi32>
    %mul3A_149 = arith.muli %broadcast_in_dim3A_42, %mul3A_148 : vector<2048x1xi32>
    %convert_element_type3A_150 = arith.fptosi %broadcast_in_dim3A_136 : vector<2048x1xf32> to vector<2048x1xi32>
    %add3A_151 = arith.addi %mul3A_149, %convert_element_type3A_150 : vector<2048x1xi32>
    %jit3A_152 = arith.constant 4096 : i32
    %broadcast_in_dim3A_153 = vector.broadcast %jit3A_152 : i32 to vector<2048x1xi32>
    %select_n3A_154 = arith.select %and3A_138, %add3A_146, %broadcast_in_dim3A_153 : vector<2048x1xi1>, vector<2048x1xi32>
    %jit3A_155 = arith.constant 4096 : i32
    %broadcast_in_dim3A_156 = vector.broadcast %jit3A_155 : i32 to vector<2048x1xi32>
    %select_n3A_157 = arith.select %and3A_141, %add3A_151, %broadcast_in_dim3A_156 : vector<2048x1xi1>, vector<2048x1xi32>
    %concatenate3A_158 = tpu.concatenate %select_n3A_154, %select_n3A_157 in 1 : vector<2048x1xi32>, vector<2048x1xi32> -> vector<2048x2xi32>
    %swap3A = arith.constant 0 : index
    %swap3A_159 = arith.constant 0 : index
    %swap3A_160 = vector.load %arg4[%swap3A, %swap3A_159] : memref<2048x2xi32, #tpu.memory_space<vmem>>, vector<2048x2xi32>
    tpu.vector_store %arg4[%swap3A, %swap3A_159], %concatenate3A_158 {strides = array<i32>} : memref<2048x2xi32, #tpu.memory_space<vmem>>, vector<2048x2xi32>,
    %jit3A_161 = arith.constant 0 : i32
    %broadcast_in_dim3A_162 = vector.broadcast %jit3A_161 : i32 to vector<2048x1xi32>
    %select_n3A_163 = arith.select %and3A_138, %add3A_146, %broadcast_in_dim3A_162 : vector<2048x1xi1>, vector<2048x1xi32>
    %jit3A_164 = arith.constant 0 : i32
    %broadcast_in_dim3A_165 = vector.broadcast %jit3A_164 : i32 to vector<2048x1xi32>
    %select_n3A_166 = arith.select %and3A_141, %add3A_151, %broadcast_in_dim3A_165 : vector<2048x1xi1>, vector<2048x1xi32>
    %concatenate3A_167 = tpu.concatenate %select_n3A_163, %select_n3A_166 in 1 : vector<2048x1xi32>, vector<2048x1xi32> -> vector<2048x2xi32>
    %swap3A_168 = arith.constant 0 : index
    %swap3A_169 = arith.constant 0 : index
    %swap3A_170 = vector.load %arg5[%swap3A_168, %swap3A_169] : memref<2048x2xi32, #tpu.memory_space<vmem>>, vector<2048x2xi32>
    tpu.vector_store %arg5[%swap3A_168, %swap3A_169], %concatenate3A_167 {strides = array<i32>} : memref<2048x2xi32, #tpu.memory_space<vmem>>, vector<2048x2xi32>,
    %convert_element_type3A_171 = arith.extui %and3A_138 : vector<2048x1xi1> to vector<2048x1xi32>
    %convert_element_type3A_172 = arith.sitofp %convert_element_type3A_171 : vector<2048x1xi32> to vector<2048x1xf32>
    %mul3A_173 = arith.mulf %div3A_50, %convert_element_type3A_172 : vector<2048x1xf32>
    %swap3A_174 = arith.constant 0 : index
    %swap3A_175 = arith.constant 0 : index
    %swap3A_176 = vector.load %arg6[%swap3A_174, %swap3A_175] : memref<2048x1xf32, #tpu.memory_space<vmem>>, vector<2048x1xf32>
    tpu.vector_store %arg6[%swap3A_174, %swap3A_175], %mul3A_173 {strides = array<i32>} : memref<2048x1xf32, #tpu.memory_space<vmem>>, vector<2048x1xf32>,
    %convert_element_type3A_177 = arith.extui %and3A_141 : vector<2048x1xi1> to vector<2048x1xi32>
    %convert_element_type3A_178 = arith.sitofp %convert_element_type3A_177 : vector<2048x1xi32> to vector<2048x1xf32>
    %mul3A_179 = arith.mulf %div3A_54, %convert_element_type3A_178 : vector<2048x1xf32>
    %swap3A_180 = arith.constant 0 : index
    %swap3A_181 = arith.constant 0 : index
    %swap3A_182 = vector.load %arg7[%swap3A_180, %swap3A_181] : memref<2048x1xf32, #tpu.memory_space<vmem>>, vector<2048x1xf32>
    tpu.vector_store %arg7[%swap3A_180, %swap3A_181], %mul3A_179 {strides = array<i32>} : memref<2048x1xf32, #tpu.memory_space<vmem>>, vector<2048x1xf32>,
    %swap3A_183 = arith.constant 0 : index
    %swap3A_184 = arith.constant 0 : index
    %swap3A_185 = vector.load %arg8[%swap3A_183, %swap3A_184] : memref<2048x1xf32, #tpu.memory_space<vmem>>, vector<2048x1xf32>
    tpu.vector_store %arg8[%swap3A_183, %swap3A_184], %convert_element_type3A_58 {strides = array<i32>} : memref<2048x1xf32, #tpu.memory_space<vmem>>, vector<2048x1xf32>,
    return
  }
}

module attributes {stable_mosaic.version = 14 : i64} {
  func.func @_mlp_body(%arg0: i32, %arg1: i32, %arg2: memref<512x768xf32, #tpu.memory_space<vmem>>, %arg3: memref<1x768x1536xf32, #tpu.memory_space<vmem>>, %arg4: memref<1x1x1536xf32, #tpu.memory_space<vmem>>, %arg5: memref<1x1536x768xf32, #tpu.memory_space<vmem>>, %arg6: memref<1x1x768xf32, #tpu.memory_space<vmem>>, %arg7: memref<512x768xbf16, #tpu.memory_space<vmem>>, %arg8: memref<512x768xf32, #tpu.memory_space<vmem>>) attributes {dimension_semantics = [#tpu.dimension_semantics<arbitrary>, #tpu.dimension_semantics<arbitrary>], iteration_bounds = array<i64: 8, 2>, scalar_prefetch = 0 : i64, scratch_operands = 1 : i64, tpu.core_type = #tpu.core_type<tc>, window_params = [{transform_indices = @transform_0, window_bounds = array<i64: 512, 768>}, {transform_indices = @transform_1, window_bounds = array<i64: 1, 768, 1536>}, {transform_indices = @transform_2, window_bounds = array<i64: 1, 1, 1536>}, {transform_indices = @transform_3, window_bounds = array<i64: 1, 1536, 768>}, {transform_indices = @transform_4, window_bounds = array<i64: 1, 1, 768>}, {transform_indices = @transform_5, window_bounds = array<i64: 512, 768>}]} {
    %get3A = arith.constant 0 : index
    %get3A_0 = arith.constant 0 : index
    %get3A_1 = vector.load %arg2[%get3A, %get3A_0] : memref<512x768xf32, #tpu.memory_space<vmem>>, vector<512x768xf32>
    %abs3A = math.absf %get3A_1 : vector<512x768xf32>
    %lt3A = arith.constant 1.000000e+30 : f32
    %lt3A_2 = vector.broadcast %lt3A : f32 to vector<512x768xf32>
    %lt3A_3 = arith.cmpf olt, %abs3A, %lt3A_2 : vector<512x768xf32>
    %jit3A = arith.constant 0.000000e+00 : f32
    %broadcast_in_dim3A = vector.broadcast %jit3A : f32 to vector<512x768xf32>
    %select_n3A = arith.select %lt3A_3, %get3A_1, %broadcast_in_dim3A : vector<512x768xi1>, vector<512x768xf32>
    %convert_element_type3A = arith.truncf %select_n3A : vector<512x768xf32> to vector<512x768xbf16>
    %get3A_4 = arith.constant 0 : index
    %get3A_5 = arith.constant 0 : index
    %get3A_6 = arith.constant 0 : index
    %get3A_7 = vector.load %arg3[%get3A_4, %get3A_5, %get3A_6] : memref<1x768x1536xf32, #tpu.memory_space<vmem>>, vector<1x768x1536xf32>
    %get3A_8 = vector.shape_cast %get3A_7 : vector<1x768x1536xf32> to vector<768x1536xf32>
    %convert_element_type3A_9 = arith.truncf %get3A_8 : vector<768x1536xf32> to vector<768x1536xbf16>
    %dot_general3A = arith.constant dense<0.000000e+00> : vector<512x1536xf32>
    %dot_general3A_10 = tpu.matmul %convert_element_type3A, %convert_element_type3A_9, %dot_general3A {dimension_numbers = #tpu.dot_dimension_numbers<[1], [0], [0], [1], [0, 0, 1, 1], [], []>, transpose_lhs_hint = false} : vector<512x768xbf16>, vector<768x1536xbf16>, vector<512x1536xf32> -> vector<512x1536xf32>
    %get3A_11 = arith.constant 0 : index
    %get3A_12 = arith.constant 0 : index
    %get3A_13 = arith.constant 0 : index
    %get3A_14 = vector.load %arg4[%get3A_11, %get3A_12, %get3A_13] : memref<1x1x1536xf32, #tpu.memory_space<vmem>>, vector<1x1x1536xf32>
    %get3A_15 = vector.shape_cast %get3A_14 : vector<1x1x1536xf32> to vector<1x1536xf32>
    %add3A = vector.broadcast %get3A_15 : vector<1x1536xf32> to vector<512x1536xf32>
    %add3A_16 = arith.addf %dot_general3A_10, %add3A : vector<512x1536xf32>
    %max3A = arith.constant 0.000000e+00 : f32
    %max3A_17 = vector.broadcast %max3A : f32 to vector<512x1536xf32>
    %max3A_18 = arith.maximumf %add3A_16, %max3A_17 : vector<512x1536xf32>
    %convert_element_type3A_19 = arith.truncf %max3A_18 : vector<512x1536xf32> to vector<512x1536xbf16>
    %get3A_20 = arith.constant 0 : index
    %get3A_21 = arith.constant 0 : index
    %get3A_22 = arith.constant 0 : index
    %get3A_23 = vector.load %arg5[%get3A_20, %get3A_21, %get3A_22] : memref<1x1536x768xf32, #tpu.memory_space<vmem>>, vector<1x1536x768xf32>
    %get3A_24 = vector.shape_cast %get3A_23 : vector<1x1536x768xf32> to vector<1536x768xf32>
    %convert_element_type3A_25 = arith.truncf %get3A_24 : vector<1536x768xf32> to vector<1536x768xbf16>
    %dot_general3A_26 = arith.constant dense<0.000000e+00> : vector<512x768xf32>
    %dot_general3A_27 = tpu.matmul %convert_element_type3A_19, %convert_element_type3A_25, %dot_general3A_26 {dimension_numbers = #tpu.dot_dimension_numbers<[1], [0], [0], [1], [0, 0, 1, 1], [], []>, transpose_lhs_hint = false} : vector<512x1536xbf16>, vector<1536x768xbf16>, vector<512x768xf32> -> vector<512x768xf32>
    %eq3A = arith.constant 0 : i32
    %eq3A_28 = arith.cmpi eq, %arg1, %eq3A : i32
    %convert_element_type3A_29 = arith.extui %eq3A_28 : i1 to i32
    %cond3A = arith.constant 0 : i32
    %cond3A_30 = arith.cmpi ne, %convert_element_type3A_29, %cond3A : i32
    scf.if %cond3A_30 {
      %get3A_35 = arith.constant 0 : index
      %get3A_36 = arith.constant 0 : index
      %get3A_37 = arith.constant 0 : index
      %get3A_38 = vector.load %arg6[%get3A_35, %get3A_36, %get3A_37] : memref<1x1x768xf32, #tpu.memory_space<vmem>>, vector<1x1x768xf32>
      %get3A_39 = vector.shape_cast %get3A_38 : vector<1x1x768xf32> to vector<1x768xf32>
      %add3A_40 = vector.broadcast %get3A_39 : vector<1x768xf32> to vector<512x768xf32>
      %add3A_41 = arith.addf %dot_general3A_27, %add3A_40 : vector<512x768xf32>
      %swap3A = arith.constant 0 : index
      %swap3A_42 = arith.constant 0 : index
      %swap3A_43 = vector.load %arg8[%swap3A, %swap3A_42] : memref<512x768xf32, #tpu.memory_space<vmem>>, vector<512x768xf32>
      tpu.vector_store %arg8[%swap3A, %swap3A_42], %add3A_41 {strides = array<i32>} : memref<512x768xf32, #tpu.memory_space<vmem>>, vector<512x768xf32>,
    } else {
    }
    %ne3A = arith.constant 0 : i32
    %ne3A_31 = arith.cmpi ne, %arg1, %ne3A : i32
    %convert_element_type3A_32 = arith.extui %ne3A_31 : i1 to i32
    %cond3A_33 = arith.constant 0 : i32
    %cond3A_34 = arith.cmpi ne, %convert_element_type3A_32, %cond3A_33 : i32
    scf.if %cond3A_34 {
      %get3A_35 = arith.constant 0 : index
      %get3A_36 = arith.constant 0 : index
      %get3A_37 = vector.load %arg8[%get3A_35, %get3A_36] : memref<512x768xf32, #tpu.memory_space<vmem>>, vector<512x768xf32>
      %add3A_38 = arith.addf %get3A_37, %dot_general3A_27 : vector<512x768xf32>
      %convert_element_type3A_39 = arith.truncf %add3A_38 : vector<512x768xf32> to vector<512x768xbf16>
      %swap3A = arith.constant 0 : index
      %swap3A_40 = arith.constant 0 : index
      %swap3A_41 = vector.load %arg7[%swap3A, %swap3A_40] : memref<512x768xbf16, #tpu.memory_space<vmem>>, vector<512x768xbf16>
      tpu.vector_store %arg7[%swap3A, %swap3A_40], %convert_element_type3A_39 {strides = array<i32>} : memref<512x768xbf16, #tpu.memory_space<vmem>>, vector<512x768xbf16>,
    } else {
    }
    return
  }
  func.func @transform_0(%arg0: i32, %arg1: i32) -> (i32, i32) {
    %c0_i32 = arith.constant 0 : i32
    %c0_i32_0 = arith.constant 0 : i32
    return %arg0, %c0_i32 : i32, i32
  }
  func.func @transform_1(%arg0: i32, %arg1: i32) -> (i32, i32, i32) {
    %c0_i32 = arith.constant 0 : i32
    %c0_i32_0 = arith.constant 0 : i32
    return %arg0, %c0_i32, %arg1 : i32, i32, i32
  }
  func.func @transform_2(%arg0: i32, %arg1: i32) -> (i32, i32, i32) {
    %c0_i32 = arith.constant 0 : i32
    %c0_i32_0 = arith.constant 0 : i32
    return %arg0, %c0_i32, %arg1 : i32, i32, i32
  }
  func.func @transform_3(%arg0: i32, %arg1: i32) -> (i32, i32, i32) {
    %c0_i32 = arith.constant 0 : i32
    %c0_i32_0 = arith.constant 0 : i32
    return %arg0, %arg1, %c0_i32 : i32, i32, i32
  }
  func.func @transform_4(%arg0: i32, %arg1: i32) -> (i32, i32, i32) {
    %c0_i32 = arith.constant 0 : i32
    %c0_i32_0 = arith.constant 0 : i32
    %c0_i32_1 = arith.constant 0 : i32
    return %arg0, %c0_i32, %c0_i32_0 : i32, i32, i32
  }
  func.func @transform_5(%arg0: i32, %arg1: i32) -> (i32, i32) {
    %c0_i32 = arith.constant 0 : i32
    %c0_i32_0 = arith.constant 0 : i32
    return %arg0, %c0_i32 : i32, i32
  }
}

module attributes {stable_mosaic.version = 14 : i64} {
  func.func @_combine_body(%arg0: i32, %arg1: memref<512x2xi32, #tpu.memory_space<vmem>>, %arg2: memref<512x1xf32, #tpu.memory_space<vmem>>, %arg3: memref<512x1xf32, #tpu.memory_space<vmem>>, %arg4: memref<512x1xf32, #tpu.memory_space<vmem>>, %arg5: memref<512x768xf32, #tpu.memory_space<vmem>>, %arg6: memref<4096x768xbf16, #tpu.memory_space<vmem>>, %arg7: memref<512x768xf32, #tpu.memory_space<vmem>>) attributes {dimension_semantics = [#tpu.dimension_semantics<arbitrary>], iteration_bounds = array<i64: 4>, scalar_prefetch = 0 : i64, scratch_operands = 0 : i64, tpu.core_type = #tpu.core_type<tc>, window_params = [{transform_indices = @transform_0, window_bounds = array<i64: 512, 2>}, {transform_indices = @transform_1, window_bounds = array<i64: 512, 1>}, {transform_indices = @transform_2, window_bounds = array<i64: 512, 1>}, {transform_indices = @transform_3, window_bounds = array<i64: 512, 1>}, {transform_indices = @transform_4, window_bounds = array<i64: 512, 768>}, {pipeline_mode = #tpu.pipeline_mode<synchronous>, transform_indices = @transform_5, window_bounds = array<i64: 4096, 768>}, {transform_indices = @transform_6, window_bounds = array<i64: 512, 768>}]} {
    %get3A = arith.constant 0 : index
    %get3A_0 = arith.constant 0 : index
    %get3A_1 = vector.load %arg1[%get3A, %get3A_0] : memref<512x2xi32, #tpu.memory_space<vmem>>, vector<512x2xi32>
    %slice3A = vector.extract_strided_slice %get3A_1 {offsets = [0, 0], sizes = [512, 1], strides = [1, 1]} : vector<512x2xi32> to vector<512x1xi32>
    %get3A_2 = arith.constant 0 : index
    %get3A_3 = arith.constant 0 : index
    %get3A_4 = vector.load %arg1[%get3A_2, %get3A_3] : memref<512x2xi32, #tpu.memory_space<vmem>>, vector<512x2xi32>
    %slice3A_5 = vector.extract_strided_slice %get3A_4 {offsets = [0, 1], sizes = [512, 1], strides = [1, 1]} : vector<512x2xi32> to vector<512x1xi32>
    %iota3A = tpu.iota {dimensions = array<i32: 1>} : vector<512x4096xi32>
    %eq3A = vector.broadcast %slice3A : vector<512x1xi32> to vector<512x4096xi32>
    %eq3A_6 = arith.cmpi eq, %iota3A, %eq3A : vector<512x4096xi32>
    %get3A_7 = arith.constant 0 : index
    %get3A_8 = arith.constant 0 : index
    %get3A_9 = vector.load %arg2[%get3A_7, %get3A_8] : memref<512x1xf32, #tpu.memory_space<vmem>>, vector<512x1xf32>
    %jit3A = arith.constant 0.000000e+00 : f32
    %broadcast_in_dim3A = vector.shape_cast %get3A_9 : vector<512x1xf32> to vector<512x1xf32>
    %broadcast_in_dim3A_10 = vector.broadcast %broadcast_in_dim3A : vector<512x1xf32> to vector<512x4096xf32>
    %broadcast_in_dim3A_11 = vector.broadcast %jit3A : f32 to vector<512x4096xf32>
    %select_n3A = arith.select %eq3A_6, %broadcast_in_dim3A_10, %broadcast_in_dim3A_11 : vector<512x4096xi1>, vector<512x4096xf32>
    %eq3A_12 = vector.broadcast %slice3A_5 : vector<512x1xi32> to vector<512x4096xi32>
    %eq3A_13 = arith.cmpi eq, %iota3A, %eq3A_12 : vector<512x4096xi32>
    %get3A_14 = arith.constant 0 : index
    %get3A_15 = arith.constant 0 : index
    %get3A_16 = vector.load %arg3[%get3A_14, %get3A_15] : memref<512x1xf32, #tpu.memory_space<vmem>>, vector<512x1xf32>
    %jit3A_17 = arith.constant 0.000000e+00 : f32
    %broadcast_in_dim3A_18 = vector.shape_cast %get3A_16 : vector<512x1xf32> to vector<512x1xf32>
    %broadcast_in_dim3A_19 = vector.broadcast %broadcast_in_dim3A_18 : vector<512x1xf32> to vector<512x4096xf32>
    %broadcast_in_dim3A_20 = vector.broadcast %jit3A_17 : f32 to vector<512x4096xf32>
    %select_n3A_21 = arith.select %eq3A_13, %broadcast_in_dim3A_19, %broadcast_in_dim3A_20 : vector<512x4096xi1>, vector<512x4096xf32>
    %add3A = arith.addf %select_n3A, %select_n3A_21 : vector<512x4096xf32>
    %convert_element_type3A = arith.truncf %add3A : vector<512x4096xf32> to vector<512x4096xbf16>
    %get3A_22 = arith.constant 0 : index
    %get3A_23 = arith.constant 0 : index
    %get3A_24 = vector.load %arg6[%get3A_22, %get3A_23] : memref<4096x768xbf16, #tpu.memory_space<vmem>>, vector<4096x768xbf16>
    %dot_general3A = arith.constant dense<0.000000e+00> : vector<512x768xf32>
    %dot_general3A_25 = tpu.matmul %convert_element_type3A, %get3A_24, %dot_general3A {dimension_numbers = #tpu.dot_dimension_numbers<[1], [0], [0], [1], [0, 0, 1, 1], [], []>, transpose_lhs_hint = false} : vector<512x4096xbf16>, vector<4096x768xbf16>, vector<512x768xf32> -> vector<512x768xf32>
    %get3A_26 = arith.constant 0 : index
    %get3A_27 = arith.constant 0 : index
    %get3A_28 = vector.load %arg4[%get3A_26, %get3A_27] : memref<512x1xf32, #tpu.memory_space<vmem>>, vector<512x1xf32>
    %gt3A = arith.constant 0.000000e+00 : f32
    %gt3A_29 = vector.broadcast %gt3A : f32 to vector<512x1xf32>
    %gt3A_30 = arith.cmpf ogt, %get3A_28, %gt3A_29 : vector<512x1xf32>
    %get3A_31 = arith.constant 0 : index
    %get3A_32 = arith.constant 0 : index
    %get3A_33 = vector.load %arg5[%get3A_31, %get3A_32] : memref<512x768xf32, #tpu.memory_space<vmem>>, vector<512x768xf32>
    %broadcast_in_dim3A_34 = vector.shape_cast %gt3A_30 : vector<512x1xi1> to vector<512x1xi1>
    %broadcast_in_dim3A_35 = vector.broadcast %broadcast_in_dim3A_34 : vector<512x1xi1> to vector<512x768xi1>
    %select_n3A_36 = arith.select %broadcast_in_dim3A_35, %dot_general3A_25, %get3A_33 : vector<512x768xi1>, vector<512x768xf32>
    %swap3A = arith.constant 0 : index
    %swap3A_37 = arith.constant 0 : index
    %swap3A_38 = vector.load %arg7[%swap3A, %swap3A_37] : memref<512x768xf32, #tpu.memory_space<vmem>>, vector<512x768xf32>
    tpu.vector_store %arg7[%swap3A, %swap3A_37], %select_n3A_36 {strides = array<i32>} : memref<512x768xf32, #tpu.memory_space<vmem>>, vector<512x768xf32>,
    return
  }
  func.func @transform_0(%arg0: i32) -> (i32, i32) {
    %c0_i32 = arith.constant 0 : i32
    %c0_i32_0 = arith.constant 0 : i32
    return %arg0, %c0_i32 : i32, i32
  }
  func.func @transform_1(%arg0: i32) -> (i32, i32) {
    %c0_i32 = arith.constant 0 : i32
    %c0_i32_0 = arith.constant 0 : i32
    return %arg0, %c0_i32 : i32, i32
  }
  func.func @transform_2(%arg0: i32) -> (i32, i32) {
    %c0_i32 = arith.constant 0 : i32
    %c0_i32_0 = arith.constant 0 : i32
    return %arg0, %c0_i32 : i32, i32
  }
  func.func @transform_3(%arg0: i32) -> (i32, i32) {
    %c0_i32 = arith.constant 0 : i32
    %c0_i32_0 = arith.constant 0 : i32
    return %arg0, %c0_i32 : i32, i32
  }
  func.func @transform_4(%arg0: i32) -> (i32, i32) {
    %c0_i32 = arith.constant 0 : i32
    %c0_i32_0 = arith.constant 0 : i32
    return %arg0, %c0_i32 : i32, i32
  }
  func.func @transform_5(%arg0: i32) -> (i32, i32) {
    %c0_i32 = arith.constant 0 : i32
    %c0_i32_0 = arith.constant 0 : i32
    %c0_i32_1 = arith.constant 0 : i32
    return %c0_i32, %c0_i32_0 : i32, i32
  }
  func.func @transform_6(%arg0: i32) -> (i32, i32) {
    %c0_i32 = arith.constant 0 : i32
    %c0_i32_0 = arith.constant 0 : i32
    return %arg0, %c0_i32 : i32, i32
  }
}

</mosaic_0001>

<sc_bundles>
// kernel: kernel.6.cloned.1.call-start
scs
__scs_entry_jumppad:
0x0: {  	(pc) =	sbr.rel $0x88, $3  }
0x1: {  	(tag) =	ssettag $0x0;
	lr =	simm.s32 $0x1  }
0x2: {  	[smem:$0x3F95] =	sst lr;
	_ =	strace $0xD0000000  }
0x3: {  	_ = 	snop  }
0x4: {  	_ = 	snop  }
0x5: {  	_ = 	snop  }
0x6: {  	_ = 	snop  }
0x7: {  	_ = 	snop  }
__scs_overlays_trampoline_lowered:
0x8: {  	[smem:$0x3FA4] =	sst s0  }
0x9: {  	[smem:$0x3FA5] =	sst s1  }
0xa: {  	[smem:$0x3FA6] =	sst s2  }
0xb: {  	[smem:$0x3FA7] =	sst s3  }
0xc: {  	[smem:$0x3FA8] =	sst s4  }
0xd: {  	[smem:$0x3FA9] =	sst s5  }
0xe: {  	[smem:$0x3FAA] =	sst s6  }
0xf: {  	[smem:$0x3FAB] =	sst s7  }
0x10: {  	[smem:$0x3FAC] =	sst s8  }
0x11: {  	[smem:$0x3FAD] =	sst s9;
	s0 =	simm.s32 @!p0 $0x0  }
0x12: {  	s1 =	sld [smem:$0x3F93];
	s0 =	simm.s32 @p0 $0x1  }
0x13: {  	[smem:$0x3FAE] =	sst s0;
	s0 =	simm.s32 @!p1 $0x0  }
0x14: {  	s2 =	sld [smem:$0x3F92];
	s0 =	simm.s32 @p1 $0x1  }
0x15: {  	[smem:$0x3FAF] =	sst s0;
	s0 =	simm.s32 @!p2 $0x0  }
0x16: {  	s3 =	sld [smem:$0x3FDB];
	s0 =	simm.s32 @p2 $0x1  }
0x17: {  	s4 =	simm.s32 $0x1BF5;
	[smem:$0x3FB1] =	sst s0  }
0x18: {  	s0 =	sld [smem:$0x3F94];
	_ =	swait.ge [sflag:s4], $0x0  }
0x19: {  	s7 =	sld [smem:$0x3F95]  }
0x1a: {  	s8 =	sadd.s32 $0xFFFFE003, lr  }
0x1b: {  	s9 =	sadd.s32 $0xFFFFFEF7, lr;
	s5 =	simm.s32 $0xFFFFFFFF;
	p2 =	slt.u32 s8, $0xFFFFF086  }
0x1c: {  	p1 =	slt.u32 s9, $0xF7A;
	s5 =	simm.s32 @!p2 $0x0  }
0x1d: {  	s5 =	simm.s32 @p1 $0x1;
	p0 =	seq.s32 s7, s2  }
0x1e: {  	s7 =	smul.u32 @!p0 $0xF7A, s2;
	p2 =	seq.s32 @!p0 s5, $0x0  }
0x1f: {  	s9 =	smul.u32 $0xF7A, s1;
	s8 =	simm.s32 @!p0 $0x1BF5;
	p2 =	por !p2, p0  }
0x20: {  	[sflag:s8] =	ssyncset.s32 @!p0 $0xFFFFF086;
	s6 =	sadd.s32 @!p0 s3, s7;
	s7 =	simm.s32 @!p0 $0x108  }
0x21: {  	s3 =	sadd.s32 s3, s9;
	s6 =	sadd.s32 @!p0 $0x88, s6;
	s7 =	simm.s32 @p2 $0x1082  }
0x22: {  	[simem:s7], [sflag:s8] =	dma.local @!p0 [hbm:s6], $0xF7A  }
0x23: {  	s9 =	sor.u32 $0xD0000000, s2;
	s6 =	simm.s32 $0x108;
	_ =	swait.ge @!p0 [sflag:s8], $0x0  }
0x24: {  	s3 =	sadd.s32 $0x88, s3;
	s6 =	simm.s32 @!p1 $0x1082;
	[sflag:s4] =	ssyncset.s32 $0xFFFFF086  }
0x25: {  	[simem:s6], [sflag:s4] =	dma.local [hbm:s3], $0xF7A  }
0x26: {  	[smem:$0x3F95] =	sst s1;
	(tag) =	ssettag s2;
	_ =	strace s9  }
0x27: {  	s1 =	sld [smem:$0x3FA5]  }
0x28: {  	s2 =	sld [smem:$0x3FA6]  }
0x29: {  	s4 =	sld [smem:$0x3FA8]  }
0x2a: {  	p0 =	seq.s32 s5, $0x0;
	s5 =	sld [smem:$0x3FA9]  }
0x2b: {  	s6 =	sld [smem:$0x3FAA]  }
0x2c: {  	s7 =	sld [smem:$0x3FAB]  }
0x2d: {  	s3 =	simm.s32 $0x108;
	s8 =	sld [smem:$0x3FAC]  }
0x2e: {  	s3 =	simm.s32 @!p0 $0x1082;
	s9 =	sld [smem:$0x3FAD]  }
0x2f: {  	lr =	sadd.s32 s0, s3;
	s0 =	sld [smem:$0x3FA4]  }
0x30: {  	s3 =	sld [smem:$0x3FA7]  }
0x31: {  	[smem:$0x3FB0] =	sst s10  }
0x32: {  	s10 =	sld [smem:$0x3FAE];
	_ =	sdelay $0x3  }
0x33: {  	p0 =	seq.s32 s10, $0x1;
	s10 =	sld [smem:$0x3FB0];
	_ =	sdelay $0x3  }
0x34: {  	[smem:$0x3FB0] =	sst s10  }
0x35: {  	s10 =	sld [smem:$0x3FAF];
	_ =	sdelay $0x3  }
0x36: {  	p1 =	seq.s32 s10, $0x1;
	s10 =	sld [smem:$0x3FB0];
	_ =	sdelay $0x3  }
0x37: {  	[smem:$0x3FB0] =	sst s10  }
0x38: {  	s10 =	sld [smem:$0x3FB1]  }
0x39: {  	_ = 	snop;
	(pc) =	sbr.ind lr, $3  }
0x3a: {  	_ = 	snop  }
0x3b: {  	_ = 	snop  }
0x3c: {  	p2 =	seq.s32 s10, $0x1;
	s10 =	sld [smem:$0x3FB0]  }
0x3d: {  	_ =	shalt  }
0x3e: {  	_ =	shalt  }
0x3f: {  	_ =	shalt  }
0x40: {  	_ =	shalt  }
0x41: {  	_ =	shalt  }
0x42: {  	_ =	shalt  }
0x43: {  	_ =	shalt  }
0x44: {  	_ =	shalt  }
0x45: {  	_ =	shalt  }
0x46: {  	_ =	shalt  }
0x47: {  	_ =	shalt  }
0x48: {  	_ =	shalt  }
0x49: {  	_ =	shalt  }
0x4a: {  	_ =	shalt  }
0x4b: {  	_ =	shalt  }
0x4c: {  	_ =	shalt  }
0x4d: {  	_ =	shalt  }
0x4e: {  	_ =	shalt  }
0x4f: {  	_ =	shalt  }
0x50: {  	_ =	shalt  }
0x51: {  	_ =	shalt  }
0x52: {  	_ =	shalt  }
0x53: {  	_ =	shalt  }
0x54: {  	_ =	shalt  }
0x55: {  	_ =	shalt  }
0x56: {  	_ =	shalt  }
0x57: {  	_ =	shalt  }
0x58: {  	_ =	shalt  }
0x59: {  	_ =	shalt  }
0x5a: {  	_ =	shalt  }
0x5b: {  	_ =	shalt  }
0x5c: {  	_ =	shalt  }
0x5d: {  	_ =	shalt  }
0x5e: {  	_ =	shalt  }
0x5f: {  	_ =	shalt  }
0x60: {  	_ =	shalt  }
0x61: {  	_ =	shalt  }
0x62: {  	_ =	shalt  }
0x63: {  	_ =	shalt  }
0x64: {  	_ =	shalt  }
0x65: {  	_ =	shalt  }
0x66: {  	_ =	shalt  }
0x67: {  	_ =	shalt  }
0x68: {  	_ =	shalt  }
0x69: {  	_ =	shalt  }
0x6a: {  	_ =	shalt  }
0x6b: {  	_ =	shalt  }
0x6c: {  	_ =	shalt  }
0x6d: {  	_ =	shalt  }
0x6e: {  	_ =	shalt  }
0x6f: {  	_ =	shalt  }
0x70: {  	_ =	shalt  }
0x71: {  	_ =	shalt  }
0x72: {  	_ =	shalt  }
0x73: {  	_ =	shalt  }
0x74: {  	_ =	shalt  }
0x75: {  	_ =	shalt  }
0x76: {  	_ =	shalt  }
0x77: {  	_ =	shalt  }
0x78: {  	_ =	shalt  }
0x79: {  	_ =	shalt  }
0x7a: {  	_ =	shalt  }
0x7b: {  	_ =	shalt  }
0x7c: {  	_ =	shalt  }
0x7d: {  	_ =	shalt  }
0x7e: {  	_ =	shalt  }
0x7f: {  	_ =	shalt  }
0x80: {  	_ =	shalt  }
0x81: {  	_ =	shalt  }
0x82: {  	_ =	shalt  }
0x83: {  	_ =	shalt  }
0x84: {  	_ =	shalt  }
0x85: {  	_ =	shalt  }
0x86: {  	_ =	shalt  }
0x87: {  	_ =	shalt  }
.Lfunc_end0:
.L_simem_size_0:
called_computation_lowered:
.L_overlay_start_0:
0x88: {  	s2 =	sld [smem:$0x3FD9]  }
0x89: {  	s3 =	sld [smem:$0x3FFE];
	_ =	sdelay $0x1  }
0x8a: {  	s1 =	srdreg.scid  }
0x8b: {  	s0 =	sand.u32 $0x1, s1  }
0x8c: {  	s17 =	sshll.u32 s0, $0xA;
	s2 =	sadd.s32 s3, s2  }
0x8d: {  	s2 =	sadd.s32 s2, s17  }
0x8e: {  	[smem:$0x3FBC] =	sst s2  }
0x8f: {  	_ = 	snop  }
0x90: {  	s2 =	sld [smem:$0x3FC9]  }
0x91: {  	s18 =	sld [smem:$0x3FD0];
	(tm) =	ssettm $0x1  }
0x92: {  	s4 =	sld [smem:$0x3FFB];
	_ =	sdelay $0x3  }
0x93: {  	_ =	strace s4  }
0x94: {  	s4 =	sld [smem:$0x3FFC];
	_ =	sdelay $0x3  }
0x95: {  	_ =	strace s4  }
0x96: {  	s4 =	sld [smem:$0x3FFD];
	_ =	sdelay $0x3  }
0x97: {  	_ =	strace s4  }
0x98: {  	_ =	strace $0x8FFFFFFF  }
0x99: {  	s19 =	sld [smem:$0x3FDB];
	_ =	sdelay $0x1  }
0x9a: {  	s5 =	simm.s32 $_scs_section_size  }
0x9b: {  	s6 =	simm.s32 $_size__tile_overlayer_lowered;
	s7 =	simm.s32 $_tile_overlayer_lowered  }
0x9c: {  	s22 =	simm.s32 $0x1BFF;
	s21 =	sshll.u32 s7, $0x1;
	s4 =	sadd.s32 s5, s19  }
0x9d: {  	s8 =	simm.s32 $0x0;
	s20 =	sshll.u32 s6, $0x1;
	s6 =	sadd.s32 s21, s4  }
0x9e: {  	[timem:s8], [sflag:s22] =	dma.local [hbm:s6], s20  }
0x9f: {  	_ =	swait.ge [sflag:s22], s20  }
0xa0: {  	s5 =	ssub.s32 $0x0, s20;
	[sflag:s22] =	ssyncset.done $0x0  }
0xa1: {  	[sflag:s22] =	ssyncadd.s32 s5;
	_ =	sdelay $0x1  }
0xa2: {  	s23 =	simm.s32 $0x1B8B  }
0xa3: {  	_ =	swait.ge [sflag:s23], $0x1  }
0xa4: {  	[sflag:s23] =	ssyncset.done $0x0  }
0xa5: {  	s25 =	simm.s32 $0x1B8E;
	s24 =	sld [smem:$0x3FFE];
	[sflag:s23] =	ssyncadd.s32 $0xFFFFFFFF  }
0xa6: {  	s26 =	simm.s32 $execute0_lowered;
	[smem:$0x3FD2] =	sst s25  }
0xa7: {  	s6 =	sshll.u32 s26, $0x1;
	_ =	strace $0x80000046;
	[dreg:$0x1] =	wrdreg $0xFFFFFFFF  }
0xa8: {  	s28 =	simm.s32 $_size_execute0_lowered;
	s4 =	sadd.s32 s4, s6;
	[dreg:$0x0] =	wrdreg $0x0  }
0xa9: {  	s6 =	sshll.u32 s28, $0x1;
	[dreg:$0x2] =	wrdreg s4  }
0xaa: {  	[dreg:$0x3] =	wrdreg s6  }
0xab: {  	[dreg:$0x4] =	wrdreg $0xC0  }
0xac: {  	_ =	task [dreg:s8], $0x5FFFF  }
0xad: {  	[dreg:$0x1] =	wrdreg $0xFFFFFFFF  }
0xae: {  	[dreg:$0x0] =	wrdreg $0x60  }
0xaf: {  	[dreg:$0x2] =	wrdreg s2  }
0xb0: {  	[dreg:$0x3] =	wrdreg s18  }
0xb1: {  	[dreg:$0x4] =	wrdreg s24  }
0xb2: {  	[dreg:$0x5] =	wrdreg $0x9  }
0xb3: {  	_ =	task.clear_ibuf [dreg:s8], $0x6FFFF;
	_ =	strace $0x90000046  }
0xb4: {  	s29 =	simm.s32 $0x9;
	_ =	strace $0x80000048  }
0xb5: {  	_ =	swait.ge [sflag:s29], $0x1  }
0xb6: {  	[sflag:s29] =	ssyncadd.s32 $0xFFFFFFFF  }
0xb7: {  	_ =	strace $0x90000048  }
0xb8: {  	_ =	sfence  }
0xb9: {  	s30 =	sld [smem:$0x0];
	_ =	sdelay $0x2  }
0xba: {  	s31 =	sshll.u32 s1, $0xD;
	s1 =	sshrl.u32 s1, $0x2  }
0xbb: {  	s3 =	sand.u32 $0x4000, s31;
	s1 =	sadd.s32 s1, s30  }
0xbc: {  	s0 =	sor.u32 s3, s0;
	s1 =	sshll.u32 s1, $0x11  }
0xbd: {  	s0 =	sor.u32 s1, s0  }
0xbe: {  	s0 =	sadd.s32 $0x8F2B, s0  }
0xbf: {  	[sflag:s0] =	ssyncadd.remote.s32 $0x1  }
0xc0: {  	_ =	sfence.sel $0xFFFF  }
0xc1: {  	[dreg:$0x0] =	wrdreg $0xFFFFFFFF;
	(pc) =	sbr.abs _section_cstart, $3  }
0xc2: {  	[dreg:$0x1] =	wrdreg $0xFFFFFFFF  }
0xc3: {  	_ =	task.clear_ibuf [dreg:s8], $0x2FFFF;
	_ =	strace $0x9FFFFFFF  }
0xc4: {  	(tm) =	ssettm $0x7FFFFFFF  }
0xc5: {  	_ =	shalt  }
tec
execute0_lowered:
.L_overlay_start_1:
0x0: {  	(tag) =	ssettag $0x1  }
0x1: {  	s1 =	srdreg.scid  }
0x2: {  	s0 =	stileid.u32;
	s3 =	rddreg [dreg:$0x0];
	s5 =	sand.u32 $0x1, s1  }
0x3: {  	s4 =	rddreg [dreg:$0x1];
	s13 =	sshll.u32 s0, $0x5;
	s2 =	sshll.u32 s5, $0x4  }
0x4: {  	s1 =	rddreg [dreg:$0x2];
	s6 =	sor.u32 s2, s13;
	s2 =	simm.s32 $0x0  }
0x5: {  	s16 =	simm.s32 $0x80;
	[smem:$0x7FF] =	sst s2  }
0x6: {  	s17 =	simm.s32 $0x100;
	_ =	strace $0x80000047;
	[dreg:$0x8] =	wrdreg s16  }
0x7: {  	s18 =	simm.s32 $0x180;
	[dreg:$0x9] =	wrdreg s17  }
0x8: {  	s19 =	simm.s32 $0xA00;
	[dreg:$0xa] =	wrdreg s18  }
0x9: {  	s20 =	simm.s32 $0x1200;
	[dreg:$0xb] =	wrdreg s19  }
0xa: {  	s21 =	simm.s32 $0x1A00;
	[dreg:$0xc] =	wrdreg s20  }
0xb: {  	s22 =	simm.s32 $0x2200;
	[dreg:$0xd] =	wrdreg s21  }
0xc: {  	s23 =	simm.s32 $0x2A00;
	[dreg:$0xe] =	wrdreg s22  }
0xd: {  	s24 =	simm.s32 $0x3200;
	[dreg:$0xf] =	wrdreg s23  }
0xe: {  	s25 =	simm.s32 $0x3A00;
	[dreg:$0x10] =	wrdreg s24  }
0xf: {  	s26 =	simm.s32 $0x4200;
	[dreg:$0x11] =	wrdreg s25  }
0x10: {  	s0 =	simm.s32 $0x4A00;
	[dreg:$0x12] =	wrdreg s26  }
0x11: {  	s8 =	simm.s32 $0x6200;
	[dreg:$0x13] =	wrdreg s0  }
0x12: {  	s9 =	simm.s32 $0x6A00;
	[dreg:$0x16] =	wrdreg s8  }
0x13: {  	s10 =	simm.s32 $0x7200;
	[dreg:$0x17] =	wrdreg s9  }
0x14: {  	s11 =	simm.s32 $0x7A00;
	[dreg:$0x18] =	wrdreg s10  }
0x15: {  	s12 =	simm.s32 $0x8200;
	[dreg:$0x19] =	wrdreg s11  }
0x16: {  	s13 =	simm.s32 $0x8A00;
	[dreg:$0x1a] =	wrdreg s12  }
0x17: {  	s28 =	simm.s32 $0x17A00;
	[dreg:$0x1b] =	wrdreg s13;
	s16 =	simm.s32 $0xA200  }
0x18: {  	s29 =	simm.s32 $0x1;
	s17 =	simm.s32 $0xAA00;
	[dreg:$0x1e] =	wrdreg s16  }
0x19: {  	s30 =	simm.s32 $0x2;
	s18 =	simm.s32 $0xB200;
	[dreg:$0x1f] =	wrdreg s17  }
0x1a: {  	s31 =	simm.s32 $0x3;
	s19 =	simm.s32 $0xBA00;
	[smem:$0x7F5] =	sst s18  }
0x1b: {  	s5 =	ssub.s32 $0x2, s5;
	s20 =	simm.s32 $0xC200;
	[smem:$0x7F6] =	sst s19  }
0x1c: {  	s7 =	sand.u32 $0xF0, s6;
	s22 =	simm.s32 $0xCA00;
	[smem:$0x7F7] =	sst s20  }
0x1d: {  	s7 =	smul.u32 $0x300, s7;
	s23 =	simm.s32 $0xD200;
	[smem:$0x7F8] =	sst s22  }
0x1e: {  	s21 =	sshrl.u32 s5, $0x1;
	s8 =	simm.s32 $0xDA00;
	[smem:$0x7F9] =	sst s23  }
0x1f: {  	s24 =	simm.s32 $0xE200;
	s25 =	simm.s32 $0xEA00;
	[smem:$0x7FA] =	sst s8  }
0x20: {  	s26 =	simm.s32 $0xF200;
	s9 =	simm.s32 $0x6;
	[smem:$0x7FB] =	sst s24  }
0x21: {  	s10 =	simm.s32 $0x5;
	s12 =	simm.s32 $0x10200;
	[smem:$0x7FC] =	sst s25  }
0x22: {  	s13 =	simm.s32 $0x10A00;
	s8 =	simm.s32 $0x200;
	[smem:$0x7FD] =	sst s26  }
0x23: {  	s16 =	simm.s32 $0x12200;
	s17 =	simm.s32 $0x12A00;
	s18 =	simm.s32 $0x13200  }
0x24: {  	s19 =	simm.s32 $0x13A00;
	s20 =	simm.s32 $0x14200;
	s7 =	sadd.s32 s3, s7  }
0x25: {  	s3 =	sadd.s32 s4, s6;
	s6 =	simm.s32 $0x5200;
	[dreg:$0x4] =	wrdreg s7  }
0x26: {  	s22 =	simm.s32 $0x15200;
	s4 =	sadd.s32 $0x4, s3;
	[dreg:$0x14] =	wrdreg s6  }
0x27: {  	s23 =	simm.s32 $0x15A00;
	s14 =	sadd.s32 $0x8, s3;
	[dreg:$0x5] =	wrdreg s4  }
0x28: {  	s24 =	simm.s32 $0x16200;
	s15 =	sadd.s32 $0xC, s3;
	[dreg:$0x6] =	wrdreg s14  }
0x29: {  	s25 =	simm.s32 $0x16A00;
	s7 =	simm.s32 $0x5A00;
	[dreg:$0x7] =	wrdreg s15  }
0x2a: {  	s26 =	simm.s32 $0x17200;
	s6 =	sadd.s32 $0x1000, s1;
	[dreg:$0x15] =	wrdreg s7  }
0x2b: {  	s14 =	simm.s32 $0x9200;
	s15 =	simm.s32 $0x9A00;
	s4 =	sadd.s32 $0xE00, s1  }
0x2c: {  	v2 =	vlaneseq.u32;
	s7 =	ssub.s32 s5, s21;
	s5 =	sadd.s32 $0xF00, s1;
	[dreg:$0x1c] =	wrdreg s14  }
0x2d: {  	vm0 =	vmmov $0xffff;
	v1 =	vshrl.u32 v2, $0x3;
	s21 =	simm.s32 $0x14A00;
	s1 =	simm.s32 $0x4;
	[dreg:$0x1d] =	wrdreg s15  }
0x2e: {  	v0 =	vand.u32 $0x7, v2;
	v2 =	vor.u32 $0x8, v2;
	v1 =	vmul.u32 $0x8, v1;
	s7 =	smax.u32 s7, $0x1;
	s14 =	simm.s32 $0x11200;
	s15 =	simm.s32 $0x11A00  }
.LBB2_1:
0x2f: {  	s0 =	rddreg [dreg:$0x4]  }
0x30: {  	[tilespmem:s8], [sflag:$0x5] =	stream.linear.gather [hbm4b:s0+s2], $0x18000, $0x38;
	[tilespmem:$0x18200] =	vst v63  }
0x31: {  	_ = 	snop  }
0x32: {  	[tilespmem:s2], [sflag:$0x6] =	stream.linear.gather [hbm4b:s3+s2], $0x20, $0x38;
	[tilespmem:$0x18200] =	vst v63  }
0x33: {  	_ =	swait.ge [sflag:s9], $0x20  }
0x34: {  	s0 =	rddreg [dreg:$0x5];
	[sflag:s9] =	ssyncset.done $0x0  }
0x35: {  	s11 =	rddreg [dreg:$0x8];
	[sflag:s9] =	ssyncadd.s32 $0xFFFFFFE0  }
0x36: {  	[tilespmem:s11], [sflag:$0x6] =	stream.linear.gather [hbm4b:s0+s2], $0x20, $0x38;
	[tilespmem:$0x18200] =	vst v63  }
0x37: {  	_ =	swait.ge [sflag:s9], $0x20  }
0x38: {  	s0 =	rddreg [dreg:$0x6];
	[sflag:s9] =	ssyncset.done $0x0  }
0x39: {  	s11 =	rddreg [dreg:$0x9];
	[sflag:s9] =	ssyncadd.s32 $0xFFFFFFE0  }
0x3a: {  	[tilespmem:s11], [sflag:$0x6] =	stream.linear.gather [hbm4b:s0+s2], $0x20, $0x38;
	[tilespmem:$0x18200] =	vst v63  }
0x3b: {  	_ =	swait.ge [sflag:s9], $0x20  }
0x3c: {  	s0 =	rddreg [dreg:$0x7];
	[sflag:s9] =	ssyncset.done $0x0  }
0x3d: {  	s11 =	rddreg [dreg:$0xa];
	[sflag:s9] =	ssyncadd.s32 $0xFFFFFFE0  }
0x3e: {  	[tilespmem:s11], [sflag:$0x6] =	stream.linear.gather [hbm4b:s0+s2], $0x20, $0x38;
	[tilespmem:$0x18200] =	vst v63  }
0x3f: {  	_ =	swait.ge [sflag:s9], $0x20  }
0x40: {  	[sflag:s9] =	ssyncset.done $0x0  }
0x41: {  	[sflag:s9] =	ssyncadd.s32 $0xFFFFFFE0  }
0x42: {  	_ =	swait.ge [sflag:s10], $0x18000  }
0x43: {  	[sflag:s10] =	ssyncset.done $0x0  }
0x44: {  	[sflag:s10] =	ssyncadd.s32 $0xFFFE8000  }
0x45: {  	v3 =	vld [tilespmem:$0x0];
	_ =	sdelay $0x4  }
0x46: {  	v4 =	vshrl.u32 v3, $0x3  }
0x47: {  	v4 =	vmul.u32 $0x30, v4  }
0x48: {  	v3 =	vand.u32 $0x7, v3  }
0x49: {  	v3 =	vor.u32 v3, v4  }
0x4a: {  	v4 =	vperm.xlane v3, v0;
	_ =	sdelay $0x1  }
0x4b: {  	v4 =	vadd.s32 v1, v4;
	_ =	sdelay $0x3  }
0x4c: {  	v3 =	vperm.xlane v3, v2  }
0x4d: {  	[hbm4b:s4+s2] =	stream.indirect_vreg.scatter [tilespmem:s8], [sflag:$0x1], $0x80, v4, vm0, $0xb8;
	[tilespmem:$0x18200] =	vst v63  }
0x4e: {  	s0 =	rddreg [dreg:$0xb];
	v3 =	vadd.s32 v1, v3  }
0x4f: {  	[hbm4b:s5+s2] =	stream.indirect_vreg.scatter [tilespmem:s0], [sflag:$0x1], $0x80, v4, vm0, $0xb8;
	[tilespmem:$0x18200] =	vst v63  }
0x50: {  	s11 =	rddreg [dreg:$0xc]  }
0x51: {  	[hbm4b:s6+s2] =	stream.indirect_vreg.scatter [tilespmem:s11], [sflag:$0x1], $0x80, v4, vm0, $0xb8;
	[tilespmem:$0x18200] =	vst v63  }
0x52: {  	s0 =	rddreg [dreg:$0xd]  }
0x53: {  	[hbm4b:s4+s2] =	stream.indirect_vreg.scatter [tilespmem:s0], [sflag:$0x1], $0x80, v3, vm0, $0xb8;
	[tilespmem:$0x18200] =	vst v63  }
0x54: {  	s11 =	rddreg [dreg:$0xe]  }
0x55: {  	[hbm4b:s5+s2] =	stream.indirect_vreg.scatter [tilespmem:s11], [sflag:$0x1], $0x80, v3, vm0, $0xb8;
	[tilespmem:$0x18200] =	vst v63  }
0x56: {  	s0 =	rddreg [dreg:$0xf]  }
0x57: {  	[hbm4b:s6+s2] =	stream.indirect_vreg.scatter [tilespmem:s0], [sflag:$0x1], $0x80, v3, vm0, $0xb8;
	[tilespmem:$0x18200] =	vst v63  }
0x58: {  	v3 =	vld [tilespmem:$0x10];
	_ =	sdelay $0x4  }
0x59: {  	v57 =	vshrl.u32 v3, $0x3  }
0x5a: {  	v4 =	vmul.u32 $0x30, v57  }
0x5b: {  	v3 =	vand.u32 $0x7, v3  }
0x5c: {  	v3 =	vor.u32 v3, v4  }
0x5d: {  	v4 =	vperm.xlane v3, v0;
	_ =	sdelay $0x1  }
0x5e: {  	v4 =	vadd.s32 v1, v4;
	_ =	sdelay $0x3  }
0x5f: {  	s0 =	rddreg [dreg:$0x10];
	v3 =	vperm.xlane v3, v2  }
0x60: {  	[hbm4b:s4+s2] =	stream.indirect_vreg.scatter [tilespmem:s0], [sflag:$0x1], $0x80, v4, vm0, $0xb8;
	[tilespmem:$0x18200] =	vst v63  }
0x61: {  	s11 =	rddreg [dreg:$0x11];
	v3 =	vadd.s32 v1, v3  }
0x62: {  	[hbm4b:s5+s2] =	stream.indirect_vreg.scatter [tilespmem:s11], [sflag:$0x1], $0x80, v4, vm0, $0xb8;
	[tilespmem:$0x18200] =	vst v63  }
0x63: {  	s0 =	rddreg [dreg:$0x12]  }
0x64: {  	[hbm4b:s6+s2] =	stream.indirect_vreg.scatter [tilespmem:s0], [sflag:$0x1], $0x80, v4, vm0, $0xb8;
	[tilespmem:$0x18200] =	vst v63  }
0x65: {  	s11 =	rddreg [dreg:$0x13]  }
0x66: {  	[hbm4b:s4+s2] =	stream.indirect_vreg.scatter [tilespmem:s11], [sflag:$0x1], $0x80, v3, vm0, $0xb8;
	[tilespmem:$0x18200] =	vst v63  }
0x67: {  	s0 =	rddreg [dreg:$0x14]  }
0x68: {  	[hbm4b:s5+s2] =	stream.indirect_vreg.scatter [tilespmem:s0], [sflag:$0x1], $0x80, v3, vm0, $0xb8;
	[tilespmem:$0x18200] =	vst v63  }
0x69: {  	s11 =	rddreg [dreg:$0x15]  }
0x6a: {  	[hbm4b:s6+s2] =	stream.indirect_vreg.scatter [tilespmem:s11], [sflag:$0x1], $0x80, v3, vm0, $0xb8;
	[tilespmem:$0x18200] =	vst v63  }
0x6b: {  	v3 =	vld [tilespmem:$0x80];
	_ =	sdelay $0x4  }
0x6c: {  	v58 =	vshrl.u32 v3, $0x3  }
0x6d: {  	v4 =	vmul.u32 $0x30, v58  }
0x6e: {  	v3 =	vand.u32 $0x7, v3  }
0x6f: {  	v3 =	vor.u32 v3, v4  }
0x70: {  	v4 =	vperm.xlane v3, v0;
	_ =	sdelay $0x1  }
0x71: {  	v4 =	vadd.s32 v1, v4;
	_ =	sdelay $0x3  }
0x72: {  	s0 =	rddreg [dreg:$0x16];
	v3 =	vperm.xlane v3, v2  }
0x73: {  	[hbm4b:s4+s2] =	stream.indirect_vreg.scatter [tilespmem:s0], [sflag:$0x2], $0x80, v4, vm0, $0xb8;
	[tilespmem:$0x18200] =	vst v63  }
0x74: {  	s11 =	rddreg [dreg:$0x17];
	v3 =	vadd.s32 v1, v3  }
0x75: {  	[hbm4b:s5+s2] =	stream.indirect_vreg.scatter [tilespmem:s11], [sflag:$0x2], $0x80, v4, vm0, $0xb8;
	[tilespmem:$0x18200] =	vst v63  }
0x76: {  	s0 =	rddreg [dreg:$0x18]  }
0x77: {  	[hbm4b:s6+s2] =	stream.indirect_vreg.scatter [tilespmem:s0], [sflag:$0x2], $0x80, v4, vm0, $0xb8;
	[tilespmem:$0x18200] =	vst v63  }
0x78: {  	s11 =	rddreg [dreg:$0x19]  }
0x79: {  	[hbm4b:s4+s2] =	stream.indirect_vreg.scatter [tilespmem:s11], [sflag:$0x2], $0x80, v3, vm0, $0xb8;
	[tilespmem:$0x18200] =	vst v63  }
0x7a: {  	s0 =	rddreg [dreg:$0x1a]  }
0x7b: {  	[hbm4b:s5+s2] =	stream.indirect_vreg.scatter [tilespmem:s0], [sflag:$0x2], $0x80, v3, vm0, $0xb8;
	[tilespmem:$0x18200] =	vst v63  }
0x7c: {  	s11 =	rddreg [dreg:$0x1b]  }
0x7d: {  	[hbm4b:s6+s2] =	stream.indirect_vreg.scatter [tilespmem:s11], [sflag:$0x2], $0x80, v3, vm0, $0xb8;
	[tilespmem:$0x18200] =	vst v63  }
0x7e: {  	v3 =	vld [tilespmem:$0x90];
	_ =	sdelay $0x4  }
0x7f: {  	v59 =	vshrl.u32 v3, $0x3  }
0x80: {  	v4 =	vmul.u32 $0x30, v59  }
0x81: {  	v3 =	vand.u32 $0x7, v3  }
0x82: {  	v3 =	vor.u32 v3, v4  }
0x83: {  	v4 =	vperm.xlane v3, v0;
	_ =	sdelay $0x1  }
0x84: {  	v4 =	vadd.s32 v1, v4;
	_ =	sdelay $0x2  }
0x85: {  	s0 =	rddreg [dreg:$0x1c]  }
0x86: {  	s11 =	rddreg [dreg:$0x1d];
	v3 =	vperm.xlane v3, v2  }
0x87: {  	[hbm4b:s4+s2] =	stream.indirect_vreg.scatter [tilespmem:s0], [sflag:$0x2], $0x80, v4, vm0, $0xb8;
	[tilespmem:$0x18200] =	vst v63  }
0x88: {  	v3 =	vadd.s32 v1, v3;
	s0 =	rddreg [dreg:$0x1e]  }
0x89: {  	[hbm4b:s5+s2] =	stream.indirect_vreg.scatter [tilespmem:s11], [sflag:$0x2], $0x80, v4, vm0, $0xb8;
	[tilespmem:$0x18200] =	vst v63  }
0x8a: {  	s11 =	rddreg [dreg:$0x1f]  }
0x8b: {  	[hbm4b:s6+s2] =	stream.indirect_vreg.scatter [tilespmem:s0], [sflag:$0x2], $0x80, v4, vm0, $0xb8;
	[tilespmem:$0x18200] =	vst v63  }
0x8c: {  	s0 =	sld [smem:$0x7F5]  }
0x8d: {  	[hbm4b:s4+s2] =	stream.indirect_vreg.scatter [tilespmem:s11], [sflag:$0x2], $0x80, v3, vm0, $0xb8;
	[tilespmem:$0x18200] =	vst v63  }
0x8e: {  	s11 =	sld [smem:$0x7F6]  }
0x8f: {  	[hbm4b:s5+s2] =	stream.indirect_vreg.scatter [tilespmem:s0], [sflag:$0x2], $0x80, v3, vm0, $0xb8;
	[tilespmem:$0x18200] =	vst v63  }
0x90: {  	_ = 	snop  }
0x91: {  	[hbm4b:s6+s2] =	stream.indirect_vreg.scatter [tilespmem:s11], [sflag:$0x2], $0x80, v3, vm0, $0xb8;
	[tilespmem:$0x18200] =	vst v63  }
0x92: {  	v3 =	vld [tilespmem:$0x100];
	_ =	sdelay $0x4  }
0x93: {  	v60 =	vshrl.u32 v3, $0x3  }
0x94: {  	v4 =	vmul.u32 $0x30, v60  }
0x95: {  	v3 =	vand.u32 $0x7, v3  }
0x96: {  	v3 =	vor.u32 v3, v4  }
0x97: {  	v4 =	vperm.xlane v3, v0;
	_ =	sdelay $0x1  }
0x98: {  	v4 =	vadd.s32 v1, v4;
	_ =	sdelay $0x1  }
0x99: {  	s0 =	sld [smem:$0x7F7];
	_ =	sdelay $0x1  }
0x9a: {  	s11 =	sld [smem:$0x7F8];
	v3 =	vperm.xlane v3, v2  }
0x9b: {  	[hbm4b:s4+s2] =	stream.indirect_vreg.scatter [tilespmem:s0], [sflag:$0x3], $0x80, v4, vm0, $0xb8;
	[tilespmem:$0x18200] =	vst v63  }
0x9c: {  	v3 =	vadd.s32 v1, v3;
	s0 =	sld [smem:$0x7F9]  }
0x9d: {  	[hbm4b:s5+s2] =	stream.indirect_vreg.scatter [tilespmem:s11], [sflag:$0x3], $0x80, v4, vm0, $0xb8;
	[tilespmem:$0x18200] =	vst v63  }
0x9e: {  	s11 =	sld [smem:$0x7FA]  }
0x9f: {  	[hbm4b:s6+s2] =	stream.indirect_vreg.scatter [tilespmem:s0], [sflag:$0x3], $0x80, v4, vm0, $0xb8;
	[tilespmem:$0x18200] =	vst v63  }
0xa0: {  	s0 =	sld [smem:$0x7FB]  }
0xa1: {  	[hbm4b:s4+s2] =	stream.indirect_vreg.scatter [tilespmem:s11], [sflag:$0x3], $0x80, v3, vm0, $0xb8;
	[tilespmem:$0x18200] =	vst v63  }
0xa2: {  	s11 =	sld [smem:$0x7FC]  }
0xa3: {  	[hbm4b:s5+s2] =	stream.indirect_vreg.scatter [tilespmem:s0], [sflag:$0x3], $0x80, v3, vm0, $0xb8;
	[tilespmem:$0x18200] =	vst v63  }
0xa4: {  	_ = 	snop  }
0xa5: {  	[hbm4b:s6+s2] =	stream.indirect_vreg.scatter [tilespmem:s11], [sflag:$0x3], $0x80, v3, vm0, $0xb8;
	[tilespmem:$0x18200] =	vst v63  }
0xa6: {  	v3 =	vld [tilespmem:$0x110];
	_ =	sdelay $0x4  }
0xa7: {  	v61 =	vshrl.u32 v3, $0x3  }
0xa8: {  	v4 =	vmul.u32 $0x30, v61  }
0xa9: {  	v3 =	vand.u32 $0x7, v3  }
0xaa: {  	v3 =	vor.u32 v3, v4  }
0xab: {  	v4 =	vperm.xlane v3, v0;
	_ =	sdelay $0x1  }
0xac: {  	v4 =	vadd.s32 v1, v4;
	_ =	sdelay $0x1  }
0xad: {  	s11 =	sld [smem:$0x7FD];
	_ =	sdelay $0x1  }
0xae: {  	v3 =	vperm.xlane v3, v2  }
0xaf: {  	[hbm4b:s4+s2] =	stream.indirect_vreg.scatter [tilespmem:s11], [sflag:$0x3], $0x80, v4, vm0, $0xb8;
	[tilespmem:$0x18200] =	vst v63  }
0xb0: {  	v3 =	vadd.s32 v1, v3;
	s11 =	simm.s32 $0xFA00  }
0xb1: {  	[hbm4b:s5+s2] =	stream.indirect_vreg.scatter [tilespmem:s11], [sflag:$0x3], $0x80, v4, vm0, $0xb8;
	[tilespmem:$0x18200] =	vst v63  }
0xb2: {  	_ = 	snop  }
0xb3: {  	[hbm4b:s6+s2] =	stream.indirect_vreg.scatter [tilespmem:s12], [sflag:$0x3], $0x80, v4, vm0, $0xb8;
	[tilespmem:$0x18200] =	vst v63  }
0xb4: {  	_ = 	snop  }
0xb5: {  	[hbm4b:s4+s2] =	stream.indirect_vreg.scatter [tilespmem:s13], [sflag:$0x3], $0x80, v3, vm0, $0xb8;
	[tilespmem:$0x18200] =	vst v63  }
0xb6: {  	_ = 	snop  }
0xb7: {  	[hbm4b:s5+s2] =	stream.indirect_vreg.scatter [tilespmem:s14], [sflag:$0x3], $0x80, v3, vm0, $0xb8;
	[tilespmem:$0x18200] =	vst v63  }
0xb8: {  	_ = 	snop  }
0xb9: {  	[hbm4b:s6+s2] =	stream.indirect_vreg.scatter [tilespmem:s15], [sflag:$0x3], $0x80, v3, vm0, $0xb8;
	[tilespmem:$0x18200] =	vst v63  }
0xba: {  	v3 =	vld [tilespmem:$0x180];
	_ =	sdelay $0x4  }
0xbb: {  	v62 =	vshrl.u32 v3, $0x3  }
0xbc: {  	v4 =	vmul.u32 $0x30, v62  }
0xbd: {  	v3 =	vand.u32 $0x7, v3  }
0xbe: {  	v3 =	vor.u32 v3, v4  }
0xbf: {  	v4 =	vperm.xlane v3, v0;
	_ =	sdelay $0x1  }
0xc0: {  	v4 =	vadd.s32 v1, v4;
	_ =	sdelay $0x3  }
0xc1: {  	v3 =	vperm.xlane v3, v2  }
0xc2: {  	[hbm4b:s4+s2] =	stream.indirect_vreg.scatter [tilespmem:s16], [sflag:$0x4], $0x80, v4, vm0, $0xb8;
	[tilespmem:$0x18200] =	vst v63  }
0xc3: {  	v3 =	vadd.s32 v1, v3  }
0xc4: {  	[hbm4b:s5+s2] =	stream.indirect_vreg.scatter [tilespmem:s17], [sflag:$0x4], $0x80, v4, vm0, $0xb8;
	[tilespmem:$0x18200] =	vst v63  }
0xc5: {  	_ = 	snop  }
0xc6: {  	[hbm4b:s6+s2] =	stream.indirect_vreg.scatter [tilespmem:s18], [sflag:$0x4], $0x80, v4, vm0, $0xb8;
	[tilespmem:$0x18200] =	vst v63  }
0xc7: {  	_ = 	snop  }
0xc8: {  	[hbm4b:s4+s2] =	stream.indirect_vreg.scatter [tilespmem:s19], [sflag:$0x4], $0x80, v3, vm0, $0xb8;
	[tilespmem:$0x18200] =	vst v63  }
0xc9: {  	_ = 	snop  }
0xca: {  	[hbm4b:s5+s2] =	stream.indirect_vreg.scatter [tilespmem:s20], [sflag:$0x4], $0x80, v3, vm0, $0xb8;
	[tilespmem:$0x18200] =	vst v63  }
0xcb: {  	_ = 	snop  }
0xcc: {  	[hbm4b:s6+s2] =	stream.indirect_vreg.scatter [tilespmem:s21], [sflag:$0x4], $0x80, v3, vm0, $0xb8;
	[tilespmem:$0x18200] =	vst v63  }
0xcd: {  	v3 =	vld [tilespmem:$0x190];
	_ =	sdelay $0x4  }
0xce: {  	v63 =	vshrl.u32 v3, $0x3  }
0xcf: {  	v4 =	vmul.u32 $0x30, v63  }
0xd0: {  	v3 =	vand.u32 $0x7, v3  }
0xd1: {  	v3 =	vor.u32 v3, v4  }
0xd2: {  	v4 =	vperm.xlane v3, v0;
	_ =	sdelay $0x1  }
0xd3: {  	v4 =	vadd.s32 v1, v4;
	_ =	sdelay $0x3  }
0xd4: {  	v3 =	vperm.xlane v3, v2  }
0xd5: {  	[hbm4b:s4+s2] =	stream.indirect_vreg.scatter [tilespmem:s22], [sflag:$0x4], $0x80, v4, vm0, $0xb8;
	[tilespmem:$0x18200] =	vst v63  }
0xd6: {  	v3 =	vadd.s32 v1, v3  }
0xd7: {  	[hbm4b:s5+s2] =	stream.indirect_vreg.scatter [tilespmem:s23], [sflag:$0x4], $0x80, v4, vm0, $0xb8;
	[tilespmem:$0x18200] =	vst v63  }
0xd8: {  	_ = 	snop  }
0xd9: {  	[hbm4b:s6+s2] =	stream.indirect_vreg.scatter [tilespmem:s24], [sflag:$0x4], $0x80, v4, vm0, $0xb8;
	[tilespmem:$0x18200] =	vst v63  }
0xda: {  	_ = 	snop  }
0xdb: {  	[hbm4b:s4+s2] =	stream.indirect_vreg.scatter [tilespmem:s25], [sflag:$0x4], $0x80, v3, vm0, $0xb8;
	[tilespmem:$0x18200] =	vst v63  }
0xdc: {  	_ = 	snop  }
0xdd: {  	[hbm4b:s5+s2] =	stream.indirect_vreg.scatter [tilespmem:s26], [sflag:$0x4], $0x80, v3, vm0, $0xb8;
	[tilespmem:$0x18200] =	vst v63  }
0xde: {  	_ = 	snop  }
0xdf: {  	[hbm4b:s6+s2] =	stream.indirect_vreg.scatter [tilespmem:s28], [sflag:$0x4], $0x80, v3, vm0, $0xb8;
	[tilespmem:$0x18200] =	vst v63  }
0xe0: {  	_ =	swait.ge [sflag:s29], $0x6000  }
0xe1: {  	[sflag:s29] =	ssyncset.done $0x0  }
0xe2: {  	[sflag:s29] =	ssyncadd.s32 $0xFFFFA000  }
0xe3: {  	_ =	swait.ge [sflag:s30], $0x6000  }
0xe4: {  	[sflag:s30] =	ssyncset.done $0x0  }
0xe5: {  	[sflag:s30] =	ssyncadd.s32 $0xFFFFA000  }
0xe6: {  	p0 =	sne.s32 s7, $0x1;
	_ =	swait.ge [sflag:s31], $0x6000  }
.Ltmp0:
0xe7: {  	[sflag:s31] =	ssyncset.done $0x0;
	(pc) =	sbr.rel @p0 .LBB2_1-.Ltmp0, $4  }
0xe8: {  	[sflag:s31] =	ssyncadd.s32 $0xFFFFA000  }
0xe9: {  	_ =	swait.ge [sflag:s1], $0x6000  }
0xea: {  	[sflag:s1] =	ssyncset.done $0x0  }
0xeb: {  	s7 =	sadd.s32 $0xFFFFFFFF, s7;
	[sflag:s1] =	ssyncadd.s32 $0xFFFFA000  }
0xec: {  	_ =	sfence.sel $0x180000  }
0xed: {  	[bflag:$0x0] =	sbarrier.arrive $0xFFFF  }
0xee: {  	_ =	strace $0x90000047  }
0xef: {  	s0 =	stileid.u32;
	[bflag:$0x2] =	sbarrier.arrive $0xFFFF  }
0xf0: {  	p0 =	sne.s32 s0, $0x0;
	s0 =	rddreg [dreg:$0x3]  }
0xf1: {  	s0 =	sadd.s32 @!p0 $0x100000, s0  }
0xf2: {  	[sflag:s0] =	ssyncadd.tile.s32 @!p0 $0x1;
	_ =	shalt  }
.Lfunc_end2:
_tile_overlayer_lowered:
.L_overlay_start_2:
0xf3: {  	(tag) =	ssettag $0x2  }
0xf4: {  	s0 =	rddreg [dreg:$0x0];
	s2 =	stileid.u32  }
0xf5: {  	s1 =	rddreg [dreg:$0x1];
	p0 =	sne.s32 s2, $0x0  }
0xf6: {  	s3 =	rddreg [dreg:$0x2];
	[bflag:$0x3] =	sbarrier.arrive $0xFFFF;
	s2 =	simm.s32 @!p0 $0x1C06  }
0xf7: {  	[timem:s3], [sflag:s2] =	dma.local @!p0 [hbm:s0], s1  }
0xf8: {  	s0 =	simm.s32 @!p0 $0x6  }
0xf9: {  	_ =	swait.ge @!p0 [sflag:s0], s1  }
0xfa: {  	s1 =	ssub.s32 @!p0 $0x0, s1;
	[sflag:s0] =	ssyncset.done @!p0 $0x0  }
0xfb: {  	[sflag:s0] =	ssyncadd.s32 @!p0 s1  }
0xfc: {  	[bflag:$0x3] =	sbarrier.arrive $0xFFFF  }
0xfd: {  	_ =	shalt  }

</sc_bundles>
